<compile_context>
chip_gen: v7x
topology: tpu7x:2x2x1
jax: 0.10.2.dev20260603
libtpu: 0.0.44.dev20260713+nightly
codegen_flags: <defaults>
</compile_context>

<pallas_src>
import functools

import jax
import jax.numpy as jnp
from jax import lax
from jax.experimental import pallas as pl
from jax.experimental.pallas import tpu as pltpu
from jax.experimental.pallas import tpu_sc as plsc

N = 10000
E = 320000
D = 128
NC = 2
NS = 16
NW = NC * NS
B = 80
CHUNKS = 125
EPW = CHUNKS * B
NPAD = 10112
RPT = NPAD // NS
RPT_LAST = N - (NS - 1) * RPT
DW = 16

_mesh = plsc.VectorSubcoreMesh(core_axis_name="c", subcore_axis_name="s")


@functools.partial(
    pl.kernel,
    mesh=_mesh,
    out_type=jax.ShapeDtypeStruct((NC, N, DW), jnp.float32),
    scratch_types=[
        pltpu.VMEM((CHUNKS, B), jnp.int32),
        pltpu.VMEM((B, DW), jnp.float32),
        pltpu.VMEM_SHARED((NPAD, DW), jnp.float32),
        pltpu.SemaphoreType.DMA,
        pltpu.SemaphoreType.DMA,
    ],
)
def _deg_kernel(cols_hbm, ones_hbm, zeros_hbm, out_hbm, colv, onesv, acc,
                ssem0, ssem1):
    ssem = (ssem0, ssem1)
    c = lax.axis_index("c")
    s = lax.axis_index("s")
    w = c * NS + s
    pltpu.sync_copy(cols_hbm.at[w], colv)
    pltpu.sync_copy(ones_hbm, onesv)
    base = s * RPT
    pltpu.sync_copy(zeros_hbm.at[pl.ds(base, RPT)], acc.at[pl.ds(base, RPT)])
    plsc.subcore_barrier()

    def body(j, b):
        @pl.when(j >= 2)
        def _():
            pltpu.make_async_copy(onesv, acc.at[colv.at[j - 2]], ssem[b]).wait()

        pltpu.async_copy(onesv, acc.at[colv.at[j]], ssem[b], add=True)

    def outer(i, carry):
        body(2 * i, 0)
        body(2 * i + 1, 1)
        return carry

    lax.fori_loop(0, (CHUNKS - 1) // 2, outer, 0)
    body(CHUNKS - 1, (CHUNKS - 1) % 2)
    pltpu.make_async_copy(onesv, acc.at[colv.at[CHUNKS - 2]],
                          ssem[(CHUNKS - 2) % 2]).wait()
    pltpu.make_async_copy(onesv, acc.at[colv.at[CHUNKS - 1]],
                          ssem[(CHUNKS - 1) % 2]).wait()
    plsc.subcore_barrier()

    @pl.when(s < NS - 1)
    def _():
        pltpu.sync_copy(acc.at[pl.ds(base, RPT)], out_hbm.at[c, pl.ds(base, RPT)])

    @pl.when(s == NS - 1)
    def _():
        pltpu.sync_copy(acc.at[pl.ds(base, RPT_LAST)],
                        out_hbm.at[c, pl.ds(base, RPT_LAST)])


@functools.partial(
    pl.kernel,
    mesh=_mesh,
    out_type=jax.ShapeDtypeStruct((NC, N, D), jnp.float32),
    scratch_types=[
        pltpu.VMEM((CHUNKS * B,), jnp.int32),
        pltpu.VMEM((CHUNKS, B), jnp.int32),
        pltpu.VMEM_SHARED((NPAD, D), jnp.float32),
        pltpu.VMEM((B, D), jnp.float32),
        pltpu.VMEM((B, D), jnp.float32),
        pltpu.SemaphoreType.DMA,
        pltpu.SemaphoreType.DMA,
        pltpu.SemaphoreType.DMA,
        pltpu.SemaphoreType.DMA,
    ],
)
def _agg_kernel(g_hbm, rows_hbm, cols_hbm, zeros_hbm, out_hbm,
                rowsv, colsv, acc, gbuf0, gbuf1,
                gsem0, gsem1, ssem0, ssem1):
    gbuf = (gbuf0, gbuf1)
    gsem = (gsem0, gsem1)
    ssem = (ssem0, ssem1)
    c = lax.axis_index("c")
    s = lax.axis_index("s")
    w = c * NS + s
    pltpu.sync_copy(rows_hbm.at[w], rowsv)
    pltpu.sync_copy(cols_hbm.at[w], colsv)
    base = s * RPT
    pltpu.sync_copy(zeros_hbm.at[pl.ds(base, RPT)], acc.at[pl.ds(base, RPT)])
    plsc.subcore_barrier()

    def chunk_body(j, b):
        nb = 1 - b
        pltpu.make_async_copy(g_hbm.at[rowsv.at[pl.ds(j * B, B)]],
                              gbuf[b], gsem[b]).wait()

        @pl.when(j >= 1)
        def _():
            pltpu.make_async_copy(gbuf[nb], acc.at[colsv.at[j - 1]],
                                  ssem[nb]).wait()

        @pl.when(j + 1 < CHUNKS)
        def _():
            pltpu.async_copy(g_hbm.at[rowsv.at[pl.ds((j + 1) * B, B)]],
                             gbuf[nb], gsem[nb])

        pltpu.async_copy(gbuf[b], acc.at[colsv.at[j]], ssem[b], add=True)

    pltpu.async_copy(g_hbm.at[rowsv.at[pl.ds(0, B)]], gbuf[0], gsem[0])

    def outer(i, carry):
        chunk_body(2 * i, 0)
        chunk_body(2 * i + 1, 1)
        return carry

    lax.fori_loop(0, (CHUNKS - 1) // 2, outer, 0)
    chunk_body(CHUNKS - 1, (CHUNKS - 1) % 2)
    lastb = (CHUNKS - 1) % 2
    pltpu.make_async_copy(gbuf[lastb], acc.at[colsv.at[CHUNKS - 1]],
                          ssem[lastb]).wait()
    plsc.subcore_barrier()

    @pl.when(s < NS - 1)
    def _():
        pltpu.sync_copy(acc.at[pl.ds(base, RPT)], out_hbm.at[c, pl.ds(base, RPT)])

    @pl.when(s == NS - 1)
    def _():
        pltpu.sync_copy(acc.at[pl.ds(base, RPT_LAST)],
                        out_hbm.at[c, pl.ds(base, RPT_LAST)])


ROWS_BLK = 2000


def _mm1_body(degp_ref, x_ref, w_ref, g_ref, dinv_ref):
    deg = degp_ref[0, :, 0:1] + degp_ref[1, :, 0:1]
    dinv = lax.rsqrt(deg)
    h = jnp.dot(x_ref[...], w_ref[...], preferred_element_type=jnp.float32)
    g_ref[...] = h * dinv
    dinv_ref[...] = dinv


def _mid_body(sp_ref, g1_ref, dinv_ref, b1_ref, w2_ref, g2_ref):
    dinv = dinv_ref[...]
    z1 = jnp.maximum(dinv * (sp_ref[0] + sp_ref[1] + g1_ref[...]) + b1_ref[...], 0.0)
    g2_ref[...] = jnp.dot(z1, w2_ref[...], preferred_element_type=jnp.float32) * dinv


def _fin_body(sp_ref, g2_ref, dinv_ref, b2_ref, x_ref, y_ref):
    dinv = dinv_ref[...]
    out = dinv * (sp_ref[0] + sp_ref[1] + g2_ref[...]) + b2_ref[...] + x_ref[...]
    y_ref[...] = jnp.maximum(out, 0.0)


_mm1_call = pl.pallas_call(
    _mm1_body,
    grid=(N // ROWS_BLK,),
    in_specs=[
        pl.BlockSpec((NC, ROWS_BLK, DW), lambda i: (0, i, 0)),
        pl.BlockSpec((ROWS_BLK, D), lambda i: (i, 0)),
        pl.BlockSpec((D, D), lambda i: (0, 0)),
    ],
    out_specs=[
        pl.BlockSpec((ROWS_BLK, D), lambda i: (i, 0)),
        pl.BlockSpec((ROWS_BLK, 1), lambda i: (i, 0)),
    ],
    out_shape=[
        jax.ShapeDtypeStruct((N, D), jnp.float32),
        jax.ShapeDtypeStruct((N, 1), jnp.float32),
    ],
)

_mid_call = pl.pallas_call(
    _mid_body,
    grid=(N // ROWS_BLK,),
    in_specs=[
        pl.BlockSpec((NC, ROWS_BLK, D), lambda i: (0, i, 0)),
        pl.BlockSpec((ROWS_BLK, D), lambda i: (i, 0)),
        pl.BlockSpec((ROWS_BLK, 1), lambda i: (i, 0)),
        pl.BlockSpec((1, D), lambda i: (0, 0)),
        pl.BlockSpec((D, D), lambda i: (0, 0)),
    ],
    out_specs=pl.BlockSpec((ROWS_BLK, D), lambda i: (i, 0)),
    out_shape=jax.ShapeDtypeStruct((N, D), jnp.float32),
)

_fin_call = pl.pallas_call(
    _fin_body,
    grid=(N // ROWS_BLK,),
    in_specs=[
        pl.BlockSpec((NC, ROWS_BLK, D), lambda i: (0, i, 0)),
        pl.BlockSpec((ROWS_BLK, D), lambda i: (i, 0)),
        pl.BlockSpec((ROWS_BLK, 1), lambda i: (i, 0)),
        pl.BlockSpec((1, D), lambda i: (0, 0)),
        pl.BlockSpec((ROWS_BLK, D), lambda i: (i, 0)),
    ],
    out_specs=pl.BlockSpec((ROWS_BLK, D), lambda i: (i, 0)),
    out_shape=jax.ShapeDtypeStruct((N, D), jnp.float32),
)


def kernel(x, edge_index, W1, b1, W2, b2):
    rows = edge_index[0].reshape(NW, EPW)
    cols = edge_index[1].reshape(NW, CHUNKS, B)
    zeros_d = jnp.zeros((NPAD, D), jnp.float32)
    zeros_w = jnp.zeros((NPAD, DW), jnp.float32)
    ones_w = jnp.ones((B, DW), jnp.float32)

    degp = _deg_kernel(cols, ones_w, zeros_w)
    g1, dinv = _mm1_call(degp, x, W1)
    s1 = _agg_kernel(g1, rows, cols, zeros_d)
    g2 = _mid_call(s1, g1, dinv, b1.reshape(1, D), W2)
    s2 = _agg_kernel(g2, rows, cols, zeros_d)
    return _fin_call(s2, g2, dinv, b2.reshape(1, D), x)

# --- scband reference (transcript-rebuilt; emitter-appended) ---
"""Pipeline reference for scband-res-gcnconv-39539468927576 (READ-ONLY COPY).

The authoritative reference and input builder live on the scoring server;
editing this copy changes nothing except your own understanding.
"""

import jax, jax.numpy as jnp
import numpy as np

N_NODES = 10000
N_EDGES = 320000
D = 128


def gcn_conv(x, edge_index, W, b):
    # PyG-style GCNConv: add self-loops, symmetric normalization D^-1/2 (A+I) D^-1/2 X W + b
    n = x.shape[0]
    loops = jnp.arange(n, dtype=edge_index.dtype)
    row = jnp.concatenate([edge_index[0], loops])  # source nodes
    col = jnp.concatenate([edge_index[1], loops])  # destination nodes
    deg = jax.ops.segment_sum(jnp.ones_like(col, dtype=x.dtype), col, num_segments=n)
    dinv = jnp.where(deg > 0, 1.0 / jnp.sqrt(deg), 0.0)
    norm = dinv[row] * dinv[col]
    h = x @ W
    msgs = h[row] * norm[:, None]
    out = jax.ops.segment_sum(msgs, col, num_segments=n)
    return out + b


def setup_inputs(seed: int = 0) -> dict:
    key = jax.random.key(seed)
    ks = jax.random.split(key, 6)
    x = jax.random.normal(ks[0], (N_NODES, D), dtype=jnp.float32)
    edge_index = jax.random.randint(ks[1], (2, N_EDGES), 0, N_NODES, dtype=jnp.int32)
    scale = 1.0 / np.sqrt(D)
    W1 = jax.random.uniform(ks[2], (D, D), dtype=jnp.float32, minval=-scale, maxval=scale)
    b1 = jnp.zeros((D,), dtype=jnp.float32)
    W2 = jax.random.uniform(ks[3], (D, D), dtype=jnp.float32, minval=-scale, maxval=scale)
    b2 = jnp.zeros((D,), dtype=jnp.float32)
    return {"x": x, "edge_index": edge_index, "W1": W1, "b1": b1, "W2": W2, "b2": b2}


def reference(x, edge_index, W1, b1, W2, b2):
    out = jax.nn.relu(gcn_conv(x, edge_index, W1, b1))
    out = gcn_conv(out, edge_index, W2, b2)
    out = out + x  # residual
    return jax.nn.relu(out)

if __name__ == "__main__":
    import jax
    _d = setup_inputs()
    print(jax.jit(kernel)(*tuple(_d.values())))

</pallas_src>

<mosaic_0001>
#map = affine_map<(d0, d1) -> (0, 0)>
#map1 = affine_map<(d0, d1) -> (0, 0, 0)>
module attributes {stable_mosaic.version = 14 : i64} {
  func.func @_agg_kernel(%arg0: i32, %arg1: i32, %arg2: memref<10000x128xf32, #tpu.memory_space<hbm>>, %arg3: memref<32x10000xi32, #tpu.memory_space<hbm>>, %arg4: memref<32x125x80xi32, #tpu.memory_space<hbm>>, %arg5: memref<10112x128xf32, #tpu.memory_space<hbm>>, %arg6: memref<2x10000x128xf32, #tpu.memory_space<hbm>>, %arg7: memref<10000xi32, #tpu.memory_space<vmem>>, %arg8: memref<125x80xi32, #tpu.memory_space<vmem>>, %arg9: memref<10112x128xf32, #tpu.memory_space<vmem_shared>>, %arg10: memref<80x128xf32, #tpu.memory_space<vmem>>, %arg11: memref<80x128xf32, #tpu.memory_space<vmem>>, %arg12: memref<!tpu.dma_semaphore, #tpu.memory_space<semaphore_mem>>, %arg13: memref<!tpu.dma_semaphore, #tpu.memory_space<semaphore_mem>>, %arg14: memref<!tpu.dma_semaphore, #tpu.memory_space<semaphore_mem>>, %arg15: memref<!tpu.dma_semaphore, #tpu.memory_space<semaphore_mem>>) attributes {dimension_semantics = [#tpu.dimension_semantics<core_parallel>, #tpu.dimension_semantics<subcore_parallel>], iteration_bounds = array<i64: 2, 16>, scalar_prefetch = 0 : i64, scratch_operands = 9 : i64, tpu.core_type = #tpu.core_type<sc_vector_subcore>, window_params = [{transform_indices = #map}, {transform_indices = #map}, {transform_indices = #map1}, {transform_indices = #map}, {transform_indices = #map1}]} {
    %mul3A = arith.constant 16 : i32
    %mul3A_0 = arith.muli %arg0, %mul3A : i32
    %add3A = arith.addi %mul3A_0, %arg1 : i32
    "tpu.region"() ({
      %run_scoped3A = tpu.sem_alloc : memref<!tpu.dma_semaphore, #tpu.memory_space<semaphore_mem>>
      %dma_start3A_44 = arith.constant 0 : i32
      %dma_start3A_45 = tpu.memref_slice %arg3[%add3A, %dma_start3A_44] : memref<32x10000xi32, #tpu.memory_space<hbm>> -> memref<1x10000xi32, #tpu.memory_space<hbm>>
      %dma_start3A_46 = tpu.memref_squeeze %dma_start3A_45 : memref<1x10000xi32, #tpu.memory_space<hbm>> -> memref<10000xi32, #tpu.memory_space<hbm>>
      %dma_start3A_47 = arith.constant 0 : i32
      %dma_start3A_48 = tpu.memref_slice %arg3[%add3A, %dma_start3A_47] : memref<32x10000xi32, #tpu.memory_space<hbm>> -> memref<1x10000xi32, #tpu.memory_space<hbm>>
      %dma_start3A_49 = tpu.memref_squeeze %dma_start3A_48 : memref<1x10000xi32, #tpu.memory_space<hbm>> -> memref<10000xi32, #tpu.memory_space<hbm>>
      tpu.enqueue_dma source(%dma_start3A_49 : memref<10000xi32, #tpu.memory_space<hbm>>) target(%arg7 : memref<10000xi32, #tpu.memory_space<vmem>>) target_semaphore(%run_scoped3A : memref<!tpu.dma_semaphore, #tpu.memory_space<semaphore_mem>>)
      %dma_wait3A_50 = arith.constant 0 : i32
      %dma_wait3A_51 = tpu.memref_slice %arg3[%add3A, %dma_wait3A_50] : memref<32x10000xi32, #tpu.memory_space<hbm>> -> memref<1x10000xi32, #tpu.memory_space<hbm>>
      %dma_wait3A_52 = tpu.memref_squeeze %dma_wait3A_51 : memref<1x10000xi32, #tpu.memory_space<hbm>> -> memref<10000xi32, #tpu.memory_space<hbm>>
      %dma_wait3A_53 = arith.constant 0 : i32
      %dma_wait3A_54 = tpu.memref_slice %arg3[%add3A, %dma_wait3A_53] : memref<32x10000xi32, #tpu.memory_space<hbm>> -> memref<1x10000xi32, #tpu.memory_space<hbm>>
      %dma_wait3A_55 = tpu.memref_squeeze %dma_wait3A_54 : memref<1x10000xi32, #tpu.memory_space<hbm>> -> memref<10000xi32, #tpu.memory_space<hbm>>
      tpu.wait_dma2 semaphore(%run_scoped3A : memref<!tpu.dma_semaphore, #tpu.memory_space<semaphore_mem>>) src(%dma_wait3A_55 : memref<10000xi32, #tpu.memory_space<hbm>>) dst(%arg7 : memref<10000xi32, #tpu.memory_space<vmem>>)
      tpu.yield
    }) : () -> ()
    "tpu.region"() ({
      %run_scoped3A = tpu.sem_alloc : memref<!tpu.dma_semaphore, #tpu.memory_space<semaphore_mem>>
      %dma_start3A_44 = arith.constant 0 : i32
      %dma_start3A_45 = arith.constant 0 : i32
      %dma_start3A_46 = tpu.memref_slice %arg4[%add3A, %dma_start3A_44, %dma_start3A_45] : memref<32x125x80xi32, #tpu.memory_space<hbm>> -> memref<1x125x80xi32, #tpu.memory_space<hbm>>
      %dma_start3A_47 = tpu.memref_squeeze %dma_start3A_46 : memref<1x125x80xi32, #tpu.memory_space<hbm>> -> memref<125x80xi32, #tpu.memory_space<hbm>>
      %dma_start3A_48 = arith.constant 0 : i32
      %dma_start3A_49 = arith.constant 0 : i32
      %dma_start3A_50 = tpu.memref_slice %arg4[%add3A, %dma_start3A_48, %dma_start3A_49] : memref<32x125x80xi32, #tpu.memory_space<hbm>> -> memref<1x125x80xi32, #tpu.memory_space<hbm>>
      %dma_start3A_51 = tpu.memref_squeeze %dma_start3A_50 : memref<1x125x80xi32, #tpu.memory_space<hbm>> -> memref<125x80xi32, #tpu.memory_space<hbm>>
      tpu.enqueue_dma source(%dma_start3A_51 : memref<125x80xi32, #tpu.memory_space<hbm>>) target(%arg8 : memref<125x80xi32, #tpu.memory_space<vmem>>) target_semaphore(%run_scoped3A : memref<!tpu.dma_semaphore, #tpu.memory_space<semaphore_mem>>)
      %dma_wait3A_52 = arith.constant 0 : i32
      %dma_wait3A_53 = arith.constant 0 : i32
      %dma_wait3A_54 = tpu.memref_slice %arg4[%add3A, %dma_wait3A_52, %dma_wait3A_53] : memref<32x125x80xi32, #tpu.memory_space<hbm>> -> memref<1x125x80xi32, #tpu.memory_space<hbm>>
      %dma_wait3A_55 = tpu.memref_squeeze %dma_wait3A_54 : memref<1x125x80xi32, #tpu.memory_space<hbm>> -> memref<125x80xi32, #tpu.memory_space<hbm>>
      %dma_wait3A_56 = arith.constant 0 : i32
      %dma_wait3A_57 = arith.constant 0 : i32
      %dma_wait3A_58 = tpu.memref_slice %arg4[%add3A, %dma_wait3A_56, %dma_wait3A_57] : memref<32x125x80xi32, #tpu.memory_space<hbm>> -> memref<1x125x80xi32, #tpu.memory_space<hbm>>
      %dma_wait3A_59 = tpu.memref_squeeze %dma_wait3A_58 : memref<1x125x80xi32, #tpu.memory_space<hbm>> -> memref<125x80xi32, #tpu.memory_space<hbm>>
      tpu.wait_dma2 semaphore(%run_scoped3A : memref<!tpu.dma_semaphore, #tpu.memory_space<semaphore_mem>>) src(%dma_wait3A_59 : memref<125x80xi32, #tpu.memory_space<hbm>>) dst(%arg8 : memref<125x80xi32, #tpu.memory_space<vmem>>)
      tpu.yield
    }) : () -> ()
    %mul3A_1 = arith.constant 632 : i32
    %mul3A_2 = arith.muli %arg1, %mul3A_1 : i32
    "tpu.region"() ({
      %run_scoped3A = tpu.sem_alloc : memref<!tpu.dma_semaphore, #tpu.memory_space<semaphore_mem>>
      %dma_start3A_44 = arith.constant 0 : i32
      %dma_start3A_45 = tpu.memref_slice %arg9[%mul3A_2, %dma_start3A_44] : memref<10112x128xf32, #tpu.memory_space<vmem_shared>> -> memref<632x128xf32, #tpu.memory_space<vmem_shared>>
      %dma_start3A_46 = arith.constant 0 : i32
      %dma_start3A_47 = tpu.memref_slice %arg5[%mul3A_2, %dma_start3A_46] : memref<10112x128xf32, #tpu.memory_space<hbm>> -> memref<632x128xf32, #tpu.memory_space<hbm>>
      tpu.enqueue_dma source(%dma_start3A_47 : memref<632x128xf32, #tpu.memory_space<hbm>>) target(%dma_start3A_45 : memref<632x128xf32, #tpu.memory_space<vmem_shared>>) target_semaphore(%run_scoped3A : memref<!tpu.dma_semaphore, #tpu.memory_space<semaphore_mem>>)
      %dma_wait3A_48 = arith.constant 0 : i32
      %dma_wait3A_49 = tpu.memref_slice %arg9[%mul3A_2, %dma_wait3A_48] : memref<10112x128xf32, #tpu.memory_space<vmem_shared>> -> memref<632x128xf32, #tpu.memory_space<vmem_shared>>
      %dma_wait3A_50 = arith.constant 0 : i32
      %dma_wait3A_51 = tpu.memref_slice %arg5[%mul3A_2, %dma_wait3A_50] : memref<10112x128xf32, #tpu.memory_space<hbm>> -> memref<632x128xf32, #tpu.memory_space<hbm>>
      tpu.wait_dma2 semaphore(%run_scoped3A : memref<!tpu.dma_semaphore, #tpu.memory_space<semaphore_mem>>) src(%dma_wait3A_51 : memref<632x128xf32, #tpu.memory_space<hbm>>) dst(%dma_wait3A_49 : memref<632x128xf32, #tpu.memory_space<vmem_shared>>)
      tpu.yield
    }) : () -> ()
    %barrier3A = arith.constant 0 : index
    tpu.barrier barrier_id(%barrier3A)
    %dma_start3A = arith.constant 0 : i32
    %dma_start3A_3 = tpu.memref_slice %arg7[%dma_start3A] : memref<10000xi32, #tpu.memory_space<vmem>> -> memref<80xi32, #tpu.memory_space<vmem>>
    %dma_start3A_4 = arith.constant 0 : i32
    %dma_start3A_5 = arith.constant 0 : i32
    %dma_start3A_6 = tpu.memref_slice %arg2[%dma_start3A_4, %dma_start3A_5] : memref<10000x128xf32, #tpu.memory_space<hbm>> -> memref<10000x128xf32, #tpu.memory_space<hbm>>
    tpu.enqueue_indirect_dma source(%dma_start3A_6 : memref<10000x128xf32, #tpu.memory_space<hbm>>) target(%arg10 : memref<80x128xf32, #tpu.memory_space<vmem>>) offsets(%dma_start3A_3 : memref<80xi32, #tpu.memory_space<vmem>>) semaphore(%arg12 : memref<!tpu.dma_semaphore, #tpu.memory_space<semaphore_mem>>)
    %scan3A = arith.constant 0 : i32
    %scan3A_7 = arith.constant 0 : i32
    %scan3A_8 = arith.constant 62 : i32
    %scan3A_9 = arith.addi %scan3A_7, %scan3A_8 : i32
    %scan3A_10 = arith.constant 1 : i32
    scf.for %scan3A_44 = %scan3A_7 to %scan3A_9 step %scan3A_10  : i32 {
      %mul3A_45 = arith.constant 2 : i32
      %mul3A_46 = arith.muli %mul3A_45, %scan3A_44 : i32
      %mul3A_47 = arith.constant 80 : i32
      %mul3A_48 = arith.muli %mul3A_46, %mul3A_47 : i32
      %dma_wait3A_49 = tpu.memref_slice %arg7[%mul3A_48] : memref<10000xi32, #tpu.memory_space<vmem>> -> memref<80xi32, #tpu.memory_space<vmem>>
      %dma_wait3A_50 = arith.constant 0 : i32
      %dma_wait3A_51 = arith.constant 0 : i32
      %dma_wait3A_52 = tpu.memref_slice %arg2[%dma_wait3A_50, %dma_wait3A_51] : memref<10000x128xf32, #tpu.memory_space<hbm>> -> memref<10000x128xf32, #tpu.memory_space<hbm>>
      tpu.wait_indirect_dma semaphore(%arg12 : memref<!tpu.dma_semaphore, #tpu.memory_space<semaphore_mem>>) src(%dma_wait3A_52 : memref<10000x128xf32, #tpu.memory_space<hbm>>) dst(%arg10 : memref<80x128xf32, #tpu.memory_space<vmem>>)
      %ge3A = arith.constant 1 : i32
      %ge3A_53 = arith.cmpi sge, %mul3A_46, %ge3A : i32
      %convert_element_type3A_54 = arith.extui %ge3A_53 : i1 to i32
      %cond3A_55 = arith.constant 0 : i32
      %cond3A_56 = arith.cmpi ne, %convert_element_type3A_54, %cond3A_55 : i32
      scf.if %cond3A_56 {
        %sub3A = arith.constant 1 : i32
        %sub3A_98 = arith.subi %mul3A_46, %sub3A : i32
        %dma_wait3A_99 = arith.constant 0 : i32
        %dma_wait3A_100 = tpu.memref_slice %arg8[%sub3A_98, %dma_wait3A_99] : memref<125x80xi32, #tpu.memory_space<vmem>> -> memref<1x80xi32, #tpu.memory_space<vmem>>
        %dma_wait3A_101 = tpu.memref_squeeze %dma_wait3A_100 : memref<1x80xi32, #tpu.memory_space<vmem>> -> memref<80xi32, #tpu.memory_space<vmem>>
        %dma_wait3A_102 = arith.constant 0 : i32
        %dma_wait3A_103 = arith.constant 0 : i32
        %dma_wait3A_104 = tpu.memref_slice %arg9[%dma_wait3A_102, %dma_wait3A_103] : memref<10112x128xf32, #tpu.memory_space<vmem_shared>> -> memref<10112x128xf32, #tpu.memory_space<vmem_shared>>
        tpu.wait_indirect_dma semaphore(%arg15 : memref<!tpu.dma_semaphore, #tpu.memory_space<semaphore_mem>>) src(%arg11 : memref<80x128xf32, #tpu.memory_space<vmem>>) dst(%dma_wait3A_104 : memref<10112x128xf32, #tpu.memory_space<vmem_shared>>)
      } else {
      }
      %add3A_57 = arith.constant 1 : i32
      %add3A_58 = arith.addi %mul3A_46, %add3A_57 : i32
      %lt3A_59 = arith.constant 125 : i32
      %lt3A_60 = arith.cmpi slt, %add3A_58, %lt3A_59 : i32
      %convert_element_type3A_61 = arith.extui %lt3A_60 : i1 to i32
      %cond3A_62 = arith.constant 0 : i32
      %cond3A_63 = arith.cmpi ne, %convert_element_type3A_61, %cond3A_62 : i32
      scf.if %cond3A_63 {
        %add3A_98 = arith.constant 1 : i32
        %add3A_99 = arith.addi %mul3A_46, %add3A_98 : i32
        %mul3A_100 = arith.constant 80 : i32
        %mul3A_101 = arith.muli %add3A_99, %mul3A_100 : i32
        %dma_start3A_102 = tpu.memref_slice %arg7[%mul3A_101] : memref<10000xi32, #tpu.memory_space<vmem>> -> memref<80xi32, #tpu.memory_space<vmem>>
        %dma_start3A_103 = arith.constant 0 : i32
        %dma_start3A_104 = arith.constant 0 : i32
        %dma_start3A_105 = tpu.memref_slice %arg2[%dma_start3A_103, %dma_start3A_104] : memref<10000x128xf32, #tpu.memory_space<hbm>> -> memref<10000x128xf32, #tpu.memory_space<hbm>>
        tpu.enqueue_indirect_dma source(%dma_start3A_105 : memref<10000x128xf32, #tpu.memory_space<hbm>>) target(%arg11 : memref<80x128xf32, #tpu.memory_space<vmem>>) offsets(%dma_start3A_102 : memref<80xi32, #tpu.memory_space<vmem>>) semaphore(%arg13 : memref<!tpu.dma_semaphore, #tpu.memory_space<semaphore_mem>>)
      } else {
      }
      %dma_start3A_64 = arith.constant 0 : i32
      %dma_start3A_65 = tpu.memref_slice %arg8[%mul3A_46, %dma_start3A_64] : memref<125x80xi32, #tpu.memory_space<vmem>> -> memref<1x80xi32, #tpu.memory_space<vmem>>
      %dma_start3A_66 = tpu.memref_squeeze %dma_start3A_65 : memref<1x80xi32, #tpu.memory_space<vmem>> -> memref<80xi32, #tpu.memory_space<vmem>>
      %dma_start3A_67 = arith.constant 0 : i32
      %dma_start3A_68 = arith.constant 0 : i32
      %dma_start3A_69 = tpu.memref_slice %arg9[%dma_start3A_67, %dma_start3A_68] : memref<10112x128xf32, #tpu.memory_space<vmem_shared>> -> memref<10112x128xf32, #tpu.memory_space<vmem_shared>>
      tpu.enqueue_indirect_dma source(%arg10 : memref<80x128xf32, #tpu.memory_space<vmem>>) target(%dma_start3A_69 : memref<10112x128xf32, #tpu.memory_space<vmem_shared>>) offsets(%dma_start3A_66 : memref<80xi32, #tpu.memory_space<vmem>>) semaphore(%arg14 : memref<!tpu.dma_semaphore, #tpu.memory_space<semaphore_mem>>) {add = true}
      %mul3A_70 = arith.constant 2 : i32
      %mul3A_71 = arith.muli %mul3A_70, %scan3A_44 : i32
      %add3A_72 = arith.constant 1 : i32
      %add3A_73 = arith.addi %mul3A_71, %add3A_72 : i32
      %mul3A_74 = arith.constant 80 : i32
      %mul3A_75 = arith.muli %add3A_73, %mul3A_74 : i32
      %dma_wait3A_76 = tpu.memref_slice %arg7[%mul3A_75] : memref<10000xi32, #tpu.memory_space<vmem>> -> memref<80xi32, #tpu.memory_space<vmem>>
      %dma_wait3A_77 = arith.constant 0 : i32
      %dma_wait3A_78 = arith.constant 0 : i32
      %dma_wait3A_79 = tpu.memref_slice %arg2[%dma_wait3A_77, %dma_wait3A_78] : memref<10000x128xf32, #tpu.memory_space<hbm>> -> memref<10000x128xf32, #tpu.memory_space<hbm>>
      tpu.wait_indirect_dma semaphore(%arg13 : memref<!tpu.dma_semaphore, #tpu.memory_space<semaphore_mem>>) src(%dma_wait3A_79 : memref<10000x128xf32, #tpu.memory_space<hbm>>) dst(%arg11 : memref<80x128xf32, #tpu.memory_space<vmem>>)
      %ge3A_80 = arith.constant 1 : i32
      %ge3A_81 = arith.cmpi sge, %add3A_73, %ge3A_80 : i32
      %convert_element_type3A_82 = arith.extui %ge3A_81 : i1 to i32
      %cond3A_83 = arith.constant 0 : i32
      %cond3A_84 = arith.cmpi ne, %convert_element_type3A_82, %cond3A_83 : i32
      scf.if %cond3A_84 {
        %sub3A = arith.constant 1 : i32
        %sub3A_98 = arith.subi %add3A_73, %sub3A : i32
        %dma_wait3A_99 = arith.constant 0 : i32
        %dma_wait3A_100 = tpu.memref_slice %arg8[%sub3A_98, %dma_wait3A_99] : memref<125x80xi32, #tpu.memory_space<vmem>> -> memref<1x80xi32, #tpu.memory_space<vmem>>
        %dma_wait3A_101 = tpu.memref_squeeze %dma_wait3A_100 : memref<1x80xi32, #tpu.memory_space<vmem>> -> memref<80xi32, #tpu.memory_space<vmem>>
        %dma_wait3A_102 = arith.constant 0 : i32
        %dma_wait3A_103 = arith.constant 0 : i32
        %dma_wait3A_104 = tpu.memref_slice %arg9[%dma_wait3A_102, %dma_wait3A_103] : memref<10112x128xf32, #tpu.memory_space<vmem_shared>> -> memref<10112x128xf32, #tpu.memory_space<vmem_shared>>
        tpu.wait_indirect_dma semaphore(%arg14 : memref<!tpu.dma_semaphore, #tpu.memory_space<semaphore_mem>>) src(%arg10 : memref<80x128xf32, #tpu.memory_space<vmem>>) dst(%dma_wait3A_104 : memref<10112x128xf32, #tpu.memory_space<vmem_shared>>)
      } else {
      }
      %add3A_85 = arith.constant 1 : i32
      %add3A_86 = arith.addi %add3A_73, %add3A_85 : i32
      %lt3A_87 = arith.constant 125 : i32
      %lt3A_88 = arith.cmpi slt, %add3A_86, %lt3A_87 : i32
      %convert_element_type3A_89 = arith.extui %lt3A_88 : i1 to i32
      %cond3A_90 = arith.constant 0 : i32
      %cond3A_91 = arith.cmpi ne, %convert_element_type3A_89, %cond3A_90 : i32
      scf.if %cond3A_91 {
        %add3A_98 = arith.constant 1 : i32
        %add3A_99 = arith.addi %add3A_73, %add3A_98 : i32
        %mul3A_100 = arith.constant 80 : i32
        %mul3A_101 = arith.muli %add3A_99, %mul3A_100 : i32
        %dma_start3A_102 = tpu.memref_slice %arg7[%mul3A_101] : memref<10000xi32, #tpu.memory_space<vmem>> -> memref<80xi32, #tpu.memory_space<vmem>>
        %dma_start3A_103 = arith.constant 0 : i32
        %dma_start3A_104 = arith.constant 0 : i32
        %dma_start3A_105 = tpu.memref_slice %arg2[%dma_start3A_103, %dma_start3A_104] : memref<10000x128xf32, #tpu.memory_space<hbm>> -> memref<10000x128xf32, #tpu.memory_space<hbm>>
        tpu.enqueue_indirect_dma source(%dma_start3A_105 : memref<10000x128xf32, #tpu.memory_space<hbm>>) target(%arg10 : memref<80x128xf32, #tpu.memory_space<vmem>>) offsets(%dma_start3A_102 : memref<80xi32, #tpu.memory_space<vmem>>) semaphore(%arg12 : memref<!tpu.dma_semaphore, #tpu.memory_space<semaphore_mem>>)
      } else {
      }
      %dma_start3A_92 = arith.constant 0 : i32
      %dma_start3A_93 = tpu.memref_slice %arg8[%add3A_73, %dma_start3A_92] : memref<125x80xi32, #tpu.memory_space<vmem>> -> memref<1x80xi32, #tpu.memory_space<vmem>>
      %dma_start3A_94 = tpu.memref_squeeze %dma_start3A_93 : memref<1x80xi32, #tpu.memory_space<vmem>> -> memref<80xi32, #tpu.memory_space<vmem>>
      %dma_start3A_95 = arith.constant 0 : i32
      %dma_start3A_96 = arith.constant 0 : i32
      %dma_start3A_97 = tpu.memref_slice %arg9[%dma_start3A_95, %dma_start3A_96] : memref<10112x128xf32, #tpu.memory_space<vmem_shared>> -> memref<10112x128xf32, #tpu.memory_space<vmem_shared>>
      tpu.enqueue_indirect_dma source(%arg11 : memref<80x128xf32, #tpu.memory_space<vmem>>) target(%dma_start3A_97 : memref<10112x128xf32, #tpu.memory_space<vmem_shared>>) offsets(%dma_start3A_94 : memref<80xi32, #tpu.memory_space<vmem>>) semaphore(%arg15 : memref<!tpu.dma_semaphore, #tpu.memory_space<semaphore_mem>>) {add = true}
    }
    %scan3A_11 = arith.constant 62 : i32
    %dma_wait3A = arith.constant 9920 : i32
    %dma_wait3A_12 = tpu.memref_slice %arg7[%dma_wait3A] : memref<10000xi32, #tpu.memory_space<vmem>> -> memref<80xi32, #tpu.memory_space<vmem>>
    %dma_wait3A_13 = arith.constant 0 : i32
    %dma_wait3A_14 = arith.constant 0 : i32
    %dma_wait3A_15 = tpu.memref_slice %arg2[%dma_wait3A_13, %dma_wait3A_14] : memref<10000x128xf32, #tpu.memory_space<hbm>> -> memref<10000x128xf32, #tpu.memory_space<hbm>>
    tpu.wait_indirect_dma semaphore(%arg12 : memref<!tpu.dma_semaphore, #tpu.memory_space<semaphore_mem>>) src(%dma_wait3A_15 : memref<10000x128xf32, #tpu.memory_space<hbm>>) dst(%arg10 : memref<80x128xf32, #tpu.memory_space<vmem>>)
    %dma_wait3A_16 = arith.constant 123 : i32
    %dma_wait3A_17 = arith.constant 0 : i32
    %dma_wait3A_18 = tpu.memref_slice %arg8[%dma_wait3A_16, %dma_wait3A_17] : memref<125x80xi32, #tpu.memory_space<vmem>> -> memref<1x80xi32, #tpu.memory_space<vmem>>
    %dma_wait3A_19 = tpu.memref_squeeze %dma_wait3A_18 : memref<1x80xi32, #tpu.memory_space<vmem>> -> memref<80xi32, #tpu.memory_space<vmem>>
    %dma_wait3A_20 = arith.constant 0 : i32
    %dma_wait3A_21 = arith.constant 0 : i32
    %dma_wait3A_22 = tpu.memref_slice %arg9[%dma_wait3A_20, %dma_wait3A_21] : memref<10112x128xf32, #tpu.memory_space<vmem_shared>> -> memref<10112x128xf32, #tpu.memory_space<vmem_shared>>
    tpu.wait_indirect_dma semaphore(%arg15 : memref<!tpu.dma_semaphore, #tpu.memory_space<semaphore_mem>>) src(%arg11 : memref<80x128xf32, #tpu.memory_space<vmem>>) dst(%dma_wait3A_22 : memref<10112x128xf32, #tpu.memory_space<vmem_shared>>)
    %dma_start3A_23 = arith.constant 124 : i32
    %dma_start3A_24 = arith.constant 0 : i32
    %dma_start3A_25 = tpu.memref_slice %arg8[%dma_start3A_23, %dma_start3A_24] : memref<125x80xi32, #tpu.memory_space<vmem>> -> memref<1x80xi32, #tpu.memory_space<vmem>>
    %dma_start3A_26 = tpu.memref_squeeze %dma_start3A_25 : memref<1x80xi32, #tpu.memory_space<vmem>> -> memref<80xi32, #tpu.memory_space<vmem>>
    %dma_start3A_27 = arith.constant 0 : i32
    %dma_start3A_28 = arith.constant 0 : i32
    %dma_start3A_29 = tpu.memref_slice %arg9[%dma_start3A_27, %dma_start3A_28] : memref<10112x128xf32, #tpu.memory_space<vmem_shared>> -> memref<10112x128xf32, #tpu.memory_space<vmem_shared>>
    tpu.enqueue_indirect_dma source(%arg10 : memref<80x128xf32, #tpu.memory_space<vmem>>) target(%dma_start3A_29 : memref<10112x128xf32, #tpu.memory_space<vmem_shared>>) offsets(%dma_start3A_26 : memref<80xi32, #tpu.memory_space<vmem>>) semaphore(%arg14 : memref<!tpu.dma_semaphore, #tpu.memory_space<semaphore_mem>>) {add = true}
    %dma_wait3A_30 = arith.constant 124 : i32
    %dma_wait3A_31 = arith.constant 0 : i32
    %dma_wait3A_32 = tpu.memref_slice %arg8[%dma_wait3A_30, %dma_wait3A_31] : memref<125x80xi32, #tpu.memory_space<vmem>> -> memref<1x80xi32, #tpu.memory_space<vmem>>
    %dma_wait3A_33 = tpu.memref_squeeze %dma_wait3A_32 : memref<1x80xi32, #tpu.memory_space<vmem>> -> memref<80xi32, #tpu.memory_space<vmem>>
    %dma_wait3A_34 = arith.constant 0 : i32
    %dma_wait3A_35 = arith.constant 0 : i32
    %dma_wait3A_36 = tpu.memref_slice %arg9[%dma_wait3A_34, %dma_wait3A_35] : memref<10112x128xf32, #tpu.memory_space<vmem_shared>> -> memref<10112x128xf32, #tpu.memory_space<vmem_shared>>
    tpu.wait_indirect_dma semaphore(%arg14 : memref<!tpu.dma_semaphore, #tpu.memory_space<semaphore_mem>>) src(%arg10 : memref<80x128xf32, #tpu.memory_space<vmem>>) dst(%dma_wait3A_36 : memref<10112x128xf32, #tpu.memory_space<vmem_shared>>)
    %barrier3A_37 = arith.constant 0 : index
    tpu.barrier barrier_id(%barrier3A_37)
    %lt3A = arith.constant 15 : i32
    %lt3A_38 = arith.cmpi slt, %arg1, %lt3A : i32
    %convert_element_type3A = arith.extui %lt3A_38 : i1 to i32
    %cond3A = arith.constant 0 : i32
    %cond3A_39 = arith.cmpi ne, %convert_element_type3A, %cond3A : i32
    scf.if %cond3A_39 {
      "tpu.region"() ({
        %run_scoped3A = tpu.sem_alloc : memref<!tpu.dma_semaphore, #tpu.memory_space<semaphore_mem>>
        %dma_start3A_44 = arith.constant 0 : i32
        %dma_start3A_45 = tpu.memref_slice %arg6[%arg0, %mul3A_2, %dma_start3A_44] : memref<2x10000x128xf32, #tpu.memory_space<hbm>> -> memref<1x632x128xf32, #tpu.memory_space<hbm>>
        %dma_start3A_46 = tpu.memref_squeeze %dma_start3A_45 : memref<1x632x128xf32, #tpu.memory_space<hbm>> -> memref<632x128xf32, #tpu.memory_space<hbm>>
        %dma_start3A_47 = arith.constant 0 : i32
        %dma_start3A_48 = tpu.memref_slice %arg9[%mul3A_2, %dma_start3A_47] : memref<10112x128xf32, #tpu.memory_space<vmem_shared>> -> memref<632x128xf32, #tpu.memory_space<vmem_shared>>
        tpu.enqueue_dma source(%dma_start3A_48 : memref<632x128xf32, #tpu.memory_space<vmem_shared>>) target(%dma_start3A_46 : memref<632x128xf32, #tpu.memory_space<hbm>>) target_semaphore(%run_scoped3A : memref<!tpu.dma_semaphore, #tpu.memory_space<semaphore_mem>>)
        %dma_wait3A_49 = arith.constant 0 : i32
        %dma_wait3A_50 = tpu.memref_slice %arg6[%arg0, %mul3A_2, %dma_wait3A_49] : memref<2x10000x128xf32, #tpu.memory_space<hbm>> -> memref<1x632x128xf32, #tpu.memory_space<hbm>>
        %dma_wait3A_51 = tpu.memref_squeeze %dma_wait3A_50 : memref<1x632x128xf32, #tpu.memory_space<hbm>> -> memref<632x128xf32, #tpu.memory_space<hbm>>
        %dma_wait3A_52 = arith.constant 0 : i32
        %dma_wait3A_53 = tpu.memref_slice %arg9[%mul3A_2, %dma_wait3A_52] : memref<10112x128xf32, #tpu.memory_space<vmem_shared>> -> memref<632x128xf32, #tpu.memory_space<vmem_shared>>
        tpu.wait_dma2 semaphore(%run_scoped3A : memref<!tpu.dma_semaphore, #tpu.memory_space<semaphore_mem>>) src(%dma_wait3A_53 : memref<632x128xf32, #tpu.memory_space<vmem_shared>>) dst(%dma_wait3A_51 : memref<632x128xf32, #tpu.memory_space<hbm>>)
        tpu.yield
      }) : () -> ()
    } else {
    }
    %eq3A = arith.constant 15 : i32
    %eq3A_40 = arith.cmpi eq, %arg1, %eq3A : i32
    %convert_element_type3A_41 = arith.extui %eq3A_40 : i1 to i32
    %cond3A_42 = arith.constant 0 : i32
    %cond3A_43 = arith.cmpi ne, %convert_element_type3A_41, %cond3A_42 : i32
    scf.if %cond3A_43 {
      "tpu.region"() ({
        %run_scoped3A = tpu.sem_alloc : memref<!tpu.dma_semaphore, #tpu.memory_space<semaphore_mem>>
        %dma_start3A_44 = arith.constant 0 : i32
        %dma_start3A_45 = tpu.memref_slice %arg6[%arg0, %mul3A_2, %dma_start3A_44] : memref<2x10000x128xf32, #tpu.memory_space<hbm>> -> memref<1x520x128xf32, #tpu.memory_space<hbm>>
        %dma_start3A_46 = tpu.memref_squeeze %dma_start3A_45 : memref<1x520x128xf32, #tpu.memory_space<hbm>> -> memref<520x128xf32, #tpu.memory_space<hbm>>
        %dma_start3A_47 = arith.constant 0 : i32
        %dma_start3A_48 = tpu.memref_slice %arg9[%mul3A_2, %dma_start3A_47] : memref<10112x128xf32, #tpu.memory_space<vmem_shared>> -> memref<520x128xf32, #tpu.memory_space<vmem_shared>>
        tpu.enqueue_dma source(%dma_start3A_48 : memref<520x128xf32, #tpu.memory_space<vmem_shared>>) target(%dma_start3A_46 : memref<520x128xf32, #tpu.memory_space<hbm>>) target_semaphore(%run_scoped3A : memref<!tpu.dma_semaphore, #tpu.memory_space<semaphore_mem>>)
        %dma_wait3A_49 = arith.constant 0 : i32
        %dma_wait3A_50 = tpu.memref_slice %arg6[%arg0, %mul3A_2, %dma_wait3A_49] : memref<2x10000x128xf32, #tpu.memory_space<hbm>> -> memref<1x520x128xf32, #tpu.memory_space<hbm>>
        %dma_wait3A_51 = tpu.memref_squeeze %dma_wait3A_50 : memref<1x520x128xf32, #tpu.memory_space<hbm>> -> memref<520x128xf32, #tpu.memory_space<hbm>>
        %dma_wait3A_52 = arith.constant 0 : i32
        %dma_wait3A_53 = tpu.memref_slice %arg9[%mul3A_2, %dma_wait3A_52] : memref<10112x128xf32, #tpu.memory_space<vmem_shared>> -> memref<520x128xf32, #tpu.memory_space<vmem_shared>>
        tpu.wait_dma2 semaphore(%run_scoped3A : memref<!tpu.dma_semaphore, #tpu.memory_space<semaphore_mem>>) src(%dma_wait3A_53 : memref<520x128xf32, #tpu.memory_space<vmem_shared>>) dst(%dma_wait3A_51 : memref<520x128xf32, #tpu.memory_space<hbm>>)
        tpu.yield
      }) : () -> ()
    } else {
    }
    return
  }
}

#map = affine_map<(d0, d1) -> (0, 0)>
#map1 = affine_map<(d0, d1) -> (0, 0, 0)>
module attributes {stable_mosaic.version = 14 : i64} {
  func.func @_agg_kernel(%arg0: i32, %arg1: i32, %arg2: memref<10000x128xf32, #tpu.memory_space<hbm>>, %arg3: memref<32x10000xi32, #tpu.memory_space<hbm>>, %arg4: memref<32x125x80xi32, #tpu.memory_space<hbm>>, %arg5: memref<10112x128xf32, #tpu.memory_space<hbm>>, %arg6: memref<2x10000x128xf32, #tpu.memory_space<hbm>>, %arg7: memref<10000xi32, #tpu.memory_space<vmem>>, %arg8: memref<125x80xi32, #tpu.memory_space<vmem>>, %arg9: memref<10112x128xf32, #tpu.memory_space<vmem_shared>>, %arg10: memref<80x128xf32, #tpu.memory_space<vmem>>, %arg11: memref<80x128xf32, #tpu.memory_space<vmem>>, %arg12: memref<!tpu.dma_semaphore, #tpu.memory_space<semaphore_mem>>, %arg13: memref<!tpu.dma_semaphore, #tpu.memory_space<semaphore_mem>>, %arg14: memref<!tpu.dma_semaphore, #tpu.memory_space<semaphore_mem>>, %arg15: memref<!tpu.dma_semaphore, #tpu.memory_space<semaphore_mem>>) attributes {dimension_semantics = [#tpu.dimension_semantics<core_parallel>, #tpu.dimension_semantics<subcore_parallel>], iteration_bounds = array<i64: 2, 16>, scalar_prefetch = 0 : i64, scratch_operands = 9 : i64, tpu.core_type = #tpu.core_type<sc_vector_subcore>, window_params = [{transform_indices = #map}, {transform_indices = #map}, {transform_indices = #map1}, {transform_indices = #map}, {transform_indices = #map1}]} {
    %mul3A = arith.constant 16 : i32
    %mul3A_0 = arith.muli %arg0, %mul3A : i32
    %add3A = arith.addi %mul3A_0, %arg1 : i32
    "tpu.region"() ({
      %run_scoped3A = tpu.sem_alloc : memref<!tpu.dma_semaphore, #tpu.memory_space<semaphore_mem>>
      %dma_start3A_44 = arith.constant 0 : i32
      %dma_start3A_45 = tpu.memref_slice %arg3[%add3A, %dma_start3A_44] : memref<32x10000xi32, #tpu.memory_space<hbm>> -> memref<1x10000xi32, #tpu.memory_space<hbm>>
      %dma_start3A_46 = tpu.memref_squeeze %dma_start3A_45 : memref<1x10000xi32, #tpu.memory_space<hbm>> -> memref<10000xi32, #tpu.memory_space<hbm>>
      %dma_start3A_47 = arith.constant 0 : i32
      %dma_start3A_48 = tpu.memref_slice %arg3[%add3A, %dma_start3A_47] : memref<32x10000xi32, #tpu.memory_space<hbm>> -> memref<1x10000xi32, #tpu.memory_space<hbm>>
      %dma_start3A_49 = tpu.memref_squeeze %dma_start3A_48 : memref<1x10000xi32, #tpu.memory_space<hbm>> -> memref<10000xi32, #tpu.memory_space<hbm>>
      tpu.enqueue_dma source(%dma_start3A_49 : memref<10000xi32, #tpu.memory_space<hbm>>) target(%arg7 : memref<10000xi32, #tpu.memory_space<vmem>>) target_semaphore(%run_scoped3A : memref<!tpu.dma_semaphore, #tpu.memory_space<semaphore_mem>>)
      %dma_wait3A_50 = arith.constant 0 : i32
      %dma_wait3A_51 = tpu.memref_slice %arg3[%add3A, %dma_wait3A_50] : memref<32x10000xi32, #tpu.memory_space<hbm>> -> memref<1x10000xi32, #tpu.memory_space<hbm>>
      %dma_wait3A_52 = tpu.memref_squeeze %dma_wait3A_51 : memref<1x10000xi32, #tpu.memory_space<hbm>> -> memref<10000xi32, #tpu.memory_space<hbm>>
      %dma_wait3A_53 = arith.constant 0 : i32
      %dma_wait3A_54 = tpu.memref_slice %arg3[%add3A, %dma_wait3A_53] : memref<32x10000xi32, #tpu.memory_space<hbm>> -> memref<1x10000xi32, #tpu.memory_space<hbm>>
      %dma_wait3A_55 = tpu.memref_squeeze %dma_wait3A_54 : memref<1x10000xi32, #tpu.memory_space<hbm>> -> memref<10000xi32, #tpu.memory_space<hbm>>
      tpu.wait_dma2 semaphore(%run_scoped3A : memref<!tpu.dma_semaphore, #tpu.memory_space<semaphore_mem>>) src(%dma_wait3A_55 : memref<10000xi32, #tpu.memory_space<hbm>>) dst(%arg7 : memref<10000xi32, #tpu.memory_space<vmem>>)
      tpu.yield
    }) : () -> ()
    "tpu.region"() ({
      %run_scoped3A = tpu.sem_alloc : memref<!tpu.dma_semaphore, #tpu.memory_space<semaphore_mem>>
      %dma_start3A_44 = arith.constant 0 : i32
      %dma_start3A_45 = arith.constant 0 : i32
      %dma_start3A_46 = tpu.memref_slice %arg4[%add3A, %dma_start3A_44, %dma_start3A_45] : memref<32x125x80xi32, #tpu.memory_space<hbm>> -> memref<1x125x80xi32, #tpu.memory_space<hbm>>
      %dma_start3A_47 = tpu.memref_squeeze %dma_start3A_46 : memref<1x125x80xi32, #tpu.memory_space<hbm>> -> memref<125x80xi32, #tpu.memory_space<hbm>>
      %dma_start3A_48 = arith.constant 0 : i32
      %dma_start3A_49 = arith.constant 0 : i32
      %dma_start3A_50 = tpu.memref_slice %arg4[%add3A, %dma_start3A_48, %dma_start3A_49] : memref<32x125x80xi32, #tpu.memory_space<hbm>> -> memref<1x125x80xi32, #tpu.memory_space<hbm>>
      %dma_start3A_51 = tpu.memref_squeeze %dma_start3A_50 : memref<1x125x80xi32, #tpu.memory_space<hbm>> -> memref<125x80xi32, #tpu.memory_space<hbm>>
      tpu.enqueue_dma source(%dma_start3A_51 : memref<125x80xi32, #tpu.memory_space<hbm>>) target(%arg8 : memref<125x80xi32, #tpu.memory_space<vmem>>) target_semaphore(%run_scoped3A : memref<!tpu.dma_semaphore, #tpu.memory_space<semaphore_mem>>)
      %dma_wait3A_52 = arith.constant 0 : i32
      %dma_wait3A_53 = arith.constant 0 : i32
      %dma_wait3A_54 = tpu.memref_slice %arg4[%add3A, %dma_wait3A_52, %dma_wait3A_53] : memref<32x125x80xi32, #tpu.memory_space<hbm>> -> memref<1x125x80xi32, #tpu.memory_space<hbm>>
      %dma_wait3A_55 = tpu.memref_squeeze %dma_wait3A_54 : memref<1x125x80xi32, #tpu.memory_space<hbm>> -> memref<125x80xi32, #tpu.memory_space<hbm>>
      %dma_wait3A_56 = arith.constant 0 : i32
      %dma_wait3A_57 = arith.constant 0 : i32
      %dma_wait3A_58 = tpu.memref_slice %arg4[%add3A, %dma_wait3A_56, %dma_wait3A_57] : memref<32x125x80xi32, #tpu.memory_space<hbm>> -> memref<1x125x80xi32, #tpu.memory_space<hbm>>
      %dma_wait3A_59 = tpu.memref_squeeze %dma_wait3A_58 : memref<1x125x80xi32, #tpu.memory_space<hbm>> -> memref<125x80xi32, #tpu.memory_space<hbm>>
      tpu.wait_dma2 semaphore(%run_scoped3A : memref<!tpu.dma_semaphore, #tpu.memory_space<semaphore_mem>>) src(%dma_wait3A_59 : memref<125x80xi32, #tpu.memory_space<hbm>>) dst(%arg8 : memref<125x80xi32, #tpu.memory_space<vmem>>)
      tpu.yield
    }) : () -> ()
    %mul3A_1 = arith.constant 632 : i32
    %mul3A_2 = arith.muli %arg1, %mul3A_1 : i32
    "tpu.region"() ({
      %run_scoped3A = tpu.sem_alloc : memref<!tpu.dma_semaphore, #tpu.memory_space<semaphore_mem>>
      %dma_start3A_44 = arith.constant 0 : i32
      %dma_start3A_45 = tpu.memref_slice %arg9[%mul3A_2, %dma_start3A_44] : memref<10112x128xf32, #tpu.memory_space<vmem_shared>> -> memref<632x128xf32, #tpu.memory_space<vmem_shared>>
      %dma_start3A_46 = arith.constant 0 : i32
      %dma_start3A_47 = tpu.memref_slice %arg5[%mul3A_2, %dma_start3A_46] : memref<10112x128xf32, #tpu.memory_space<hbm>> -> memref<632x128xf32, #tpu.memory_space<hbm>>
      tpu.enqueue_dma source(%dma_start3A_47 : memref<632x128xf32, #tpu.memory_space<hbm>>) target(%dma_start3A_45 : memref<632x128xf32, #tpu.memory_space<vmem_shared>>) target_semaphore(%run_scoped3A : memref<!tpu.dma_semaphore, #tpu.memory_space<semaphore_mem>>)
      %dma_wait3A_48 = arith.constant 0 : i32
      %dma_wait3A_49 = tpu.memref_slice %arg9[%mul3A_2, %dma_wait3A_48] : memref<10112x128xf32, #tpu.memory_space<vmem_shared>> -> memref<632x128xf32, #tpu.memory_space<vmem_shared>>
      %dma_wait3A_50 = arith.constant 0 : i32
      %dma_wait3A_51 = tpu.memref_slice %arg5[%mul3A_2, %dma_wait3A_50] : memref<10112x128xf32, #tpu.memory_space<hbm>> -> memref<632x128xf32, #tpu.memory_space<hbm>>
      tpu.wait_dma2 semaphore(%run_scoped3A : memref<!tpu.dma_semaphore, #tpu.memory_space<semaphore_mem>>) src(%dma_wait3A_51 : memref<632x128xf32, #tpu.memory_space<hbm>>) dst(%dma_wait3A_49 : memref<632x128xf32, #tpu.memory_space<vmem_shared>>)
      tpu.yield
    }) : () -> ()
    %barrier3A = arith.constant 0 : index
    tpu.barrier barrier_id(%barrier3A)
    %dma_start3A = arith.constant 0 : i32
    %dma_start3A_3 = tpu.memref_slice %arg7[%dma_start3A] : memref<10000xi32, #tpu.memory_space<vmem>> -> memref<80xi32, #tpu.memory_space<vmem>>
    %dma_start3A_4 = arith.constant 0 : i32
    %dma_start3A_5 = arith.constant 0 : i32
    %dma_start3A_6 = tpu.memref_slice %arg2[%dma_start3A_4, %dma_start3A_5] : memref<10000x128xf32, #tpu.memory_space<hbm>> -> memref<10000x128xf32, #tpu.memory_space<hbm>>
    tpu.enqueue_indirect_dma source(%dma_start3A_6 : memref<10000x128xf32, #tpu.memory_space<hbm>>) target(%arg10 : memref<80x128xf32, #tpu.memory_space<vmem>>) offsets(%dma_start3A_3 : memref<80xi32, #tpu.memory_space<vmem>>) semaphore(%arg12 : memref<!tpu.dma_semaphore, #tpu.memory_space<semaphore_mem>>)
    %scan3A = arith.constant 0 : i32
    %scan3A_7 = arith.constant 0 : i32
    %scan3A_8 = arith.constant 62 : i32
    %scan3A_9 = arith.addi %scan3A_7, %scan3A_8 : i32
    %scan3A_10 = arith.constant 1 : i32
    scf.for %scan3A_44 = %scan3A_7 to %scan3A_9 step %scan3A_10  : i32 {
      %mul3A_45 = arith.constant 2 : i32
      %mul3A_46 = arith.muli %mul3A_45, %scan3A_44 : i32
      %mul3A_47 = arith.constant 80 : i32
      %mul3A_48 = arith.muli %mul3A_46, %mul3A_47 : i32
      %dma_wait3A_49 = tpu.memref_slice %arg7[%mul3A_48] : memref<10000xi32, #tpu.memory_space<vmem>> -> memref<80xi32, #tpu.memory_space<vmem>>
      %dma_wait3A_50 = arith.constant 0 : i32
      %dma_wait3A_51 = arith.constant 0 : i32
      %dma_wait3A_52 = tpu.memref_slice %arg2[%dma_wait3A_50, %dma_wait3A_51] : memref<10000x128xf32, #tpu.memory_space<hbm>> -> memref<10000x128xf32, #tpu.memory_space<hbm>>
      tpu.wait_indirect_dma semaphore(%arg12 : memref<!tpu.dma_semaphore, #tpu.memory_space<semaphore_mem>>) src(%dma_wait3A_52 : memref<10000x128xf32, #tpu.memory_space<hbm>>) dst(%arg10 : memref<80x128xf32, #tpu.memory_space<vmem>>)
      %ge3A = arith.constant 1 : i32
      %ge3A_53 = arith.cmpi sge, %mul3A_46, %ge3A : i32
      %convert_element_type3A_54 = arith.extui %ge3A_53 : i1 to i32
      %cond3A_55 = arith.constant 0 : i32
      %cond3A_56 = arith.cmpi ne, %convert_element_type3A_54, %cond3A_55 : i32
      scf.if %cond3A_56 {
        %sub3A = arith.constant 1 : i32
        %sub3A_98 = arith.subi %mul3A_46, %sub3A : i32
        %dma_wait3A_99 = arith.constant 0 : i32
        %dma_wait3A_100 = tpu.memref_slice %arg8[%sub3A_98, %dma_wait3A_99] : memref<125x80xi32, #tpu.memory_space<vmem>> -> memref<1x80xi32, #tpu.memory_space<vmem>>
        %dma_wait3A_101 = tpu.memref_squeeze %dma_wait3A_100 : memref<1x80xi32, #tpu.memory_space<vmem>> -> memref<80xi32, #tpu.memory_space<vmem>>
        %dma_wait3A_102 = arith.constant 0 : i32
        %dma_wait3A_103 = arith.constant 0 : i32
        %dma_wait3A_104 = tpu.memref_slice %arg9[%dma_wait3A_102, %dma_wait3A_103] : memref<10112x128xf32, #tpu.memory_space<vmem_shared>> -> memref<10112x128xf32, #tpu.memory_space<vmem_shared>>
        tpu.wait_indirect_dma semaphore(%arg15 : memref<!tpu.dma_semaphore, #tpu.memory_space<semaphore_mem>>) src(%arg11 : memref<80x128xf32, #tpu.memory_space<vmem>>) dst(%dma_wait3A_104 : memref<10112x128xf32, #tpu.memory_space<vmem_shared>>)
      } else {
      }
      %add3A_57 = arith.constant 1 : i32
      %add3A_58 = arith.addi %mul3A_46, %add3A_57 : i32
      %lt3A_59 = arith.constant 125 : i32
      %lt3A_60 = arith.cmpi slt, %add3A_58, %lt3A_59 : i32
      %convert_element_type3A_61 = arith.extui %lt3A_60 : i1 to i32
      %cond3A_62 = arith.constant 0 : i32
      %cond3A_63 = arith.cmpi ne, %convert_element_type3A_61, %cond3A_62 : i32
      scf.if %cond3A_63 {
        %add3A_98 = arith.constant 1 : i32
        %add3A_99 = arith.addi %mul3A_46, %add3A_98 : i32
        %mul3A_100 = arith.constant 80 : i32
        %mul3A_101 = arith.muli %add3A_99, %mul3A_100 : i32
        %dma_start3A_102 = tpu.memref_slice %arg7[%mul3A_101] : memref<10000xi32, #tpu.memory_space<vmem>> -> memref<80xi32, #tpu.memory_space<vmem>>
        %dma_start3A_103 = arith.constant 0 : i32
        %dma_start3A_104 = arith.constant 0 : i32
        %dma_start3A_105 = tpu.memref_slice %arg2[%dma_start3A_103, %dma_start3A_104] : memref<10000x128xf32, #tpu.memory_space<hbm>> -> memref<10000x128xf32, #tpu.memory_space<hbm>>
        tpu.enqueue_indirect_dma source(%dma_start3A_105 : memref<10000x128xf32, #tpu.memory_space<hbm>>) target(%arg11 : memref<80x128xf32, #tpu.memory_space<vmem>>) offsets(%dma_start3A_102 : memref<80xi32, #tpu.memory_space<vmem>>) semaphore(%arg13 : memref<!tpu.dma_semaphore, #tpu.memory_space<semaphore_mem>>)
      } else {
      }
      %dma_start3A_64 = arith.constant 0 : i32
      %dma_start3A_65 = tpu.memref_slice %arg8[%mul3A_46, %dma_start3A_64] : memref<125x80xi32, #tpu.memory_space<vmem>> -> memref<1x80xi32, #tpu.memory_space<vmem>>
      %dma_start3A_66 = tpu.memref_squeeze %dma_start3A_65 : memref<1x80xi32, #tpu.memory_space<vmem>> -> memref<80xi32, #tpu.memory_space<vmem>>
      %dma_start3A_67 = arith.constant 0 : i32
      %dma_start3A_68 = arith.constant 0 : i32
      %dma_start3A_69 = tpu.memref_slice %arg9[%dma_start3A_67, %dma_start3A_68] : memref<10112x128xf32, #tpu.memory_space<vmem_shared>> -> memref<10112x128xf32, #tpu.memory_space<vmem_shared>>
      tpu.enqueue_indirect_dma source(%arg10 : memref<80x128xf32, #tpu.memory_space<vmem>>) target(%dma_start3A_69 : memref<10112x128xf32, #tpu.memory_space<vmem_shared>>) offsets(%dma_start3A_66 : memref<80xi32, #tpu.memory_space<vmem>>) semaphore(%arg14 : memref<!tpu.dma_semaphore, #tpu.memory_space<semaphore_mem>>) {add = true}
      %mul3A_70 = arith.constant 2 : i32
      %mul3A_71 = arith.muli %mul3A_70, %scan3A_44 : i32
      %add3A_72 = arith.constant 1 : i32
      %add3A_73 = arith.addi %mul3A_71, %add3A_72 : i32
      %mul3A_74 = arith.constant 80 : i32
      %mul3A_75 = arith.muli %add3A_73, %mul3A_74 : i32
      %dma_wait3A_76 = tpu.memref_slice %arg7[%mul3A_75] : memref<10000xi32, #tpu.memory_space<vmem>> -> memref<80xi32, #tpu.memory_space<vmem>>
      %dma_wait3A_77 = arith.constant 0 : i32
      %dma_wait3A_78 = arith.constant 0 : i32
      %dma_wait3A_79 = tpu.memref_slice %arg2[%dma_wait3A_77, %dma_wait3A_78] : memref<10000x128xf32, #tpu.memory_space<hbm>> -> memref<10000x128xf32, #tpu.memory_space<hbm>>
      tpu.wait_indirect_dma semaphore(%arg13 : memref<!tpu.dma_semaphore, #tpu.memory_space<semaphore_mem>>) src(%dma_wait3A_79 : memref<10000x128xf32, #tpu.memory_space<hbm>>) dst(%arg11 : memref<80x128xf32, #tpu.memory_space<vmem>>)
      %ge3A_80 = arith.constant 1 : i32
      %ge3A_81 = arith.cmpi sge, %add3A_73, %ge3A_80 : i32
      %convert_element_type3A_82 = arith.extui %ge3A_81 : i1 to i32
      %cond3A_83 = arith.constant 0 : i32
      %cond3A_84 = arith.cmpi ne, %convert_element_type3A_82, %cond3A_83 : i32
      scf.if %cond3A_84 {
        %sub3A = arith.constant 1 : i32
        %sub3A_98 = arith.subi %add3A_73, %sub3A : i32
        %dma_wait3A_99 = arith.constant 0 : i32
        %dma_wait3A_100 = tpu.memref_slice %arg8[%sub3A_98, %dma_wait3A_99] : memref<125x80xi32, #tpu.memory_space<vmem>> -> memref<1x80xi32, #tpu.memory_space<vmem>>
        %dma_wait3A_101 = tpu.memref_squeeze %dma_wait3A_100 : memref<1x80xi32, #tpu.memory_space<vmem>> -> memref<80xi32, #tpu.memory_space<vmem>>
        %dma_wait3A_102 = arith.constant 0 : i32
        %dma_wait3A_103 = arith.constant 0 : i32
        %dma_wait3A_104 = tpu.memref_slice %arg9[%dma_wait3A_102, %dma_wait3A_103] : memref<10112x128xf32, #tpu.memory_space<vmem_shared>> -> memref<10112x128xf32, #tpu.memory_space<vmem_shared>>
        tpu.wait_indirect_dma semaphore(%arg14 : memref<!tpu.dma_semaphore, #tpu.memory_space<semaphore_mem>>) src(%arg10 : memref<80x128xf32, #tpu.memory_space<vmem>>) dst(%dma_wait3A_104 : memref<10112x128xf32, #tpu.memory_space<vmem_shared>>)
      } else {
      }
      %add3A_85 = arith.constant 1 : i32
      %add3A_86 = arith.addi %add3A_73, %add3A_85 : i32
      %lt3A_87 = arith.constant 125 : i32
      %lt3A_88 = arith.cmpi slt, %add3A_86, %lt3A_87 : i32
      %convert_element_type3A_89 = arith.extui %lt3A_88 : i1 to i32
      %cond3A_90 = arith.constant 0 : i32
      %cond3A_91 = arith.cmpi ne, %convert_element_type3A_89, %cond3A_90 : i32
      scf.if %cond3A_91 {
        %add3A_98 = arith.constant 1 : i32
        %add3A_99 = arith.addi %add3A_73, %add3A_98 : i32
        %mul3A_100 = arith.constant 80 : i32
        %mul3A_101 = arith.muli %add3A_99, %mul3A_100 : i32
        %dma_start3A_102 = tpu.memref_slice %arg7[%mul3A_101] : memref<10000xi32, #tpu.memory_space<vmem>> -> memref<80xi32, #tpu.memory_space<vmem>>
        %dma_start3A_103 = arith.constant 0 : i32
        %dma_start3A_104 = arith.constant 0 : i32
        %dma_start3A_105 = tpu.memref_slice %arg2[%dma_start3A_103, %dma_start3A_104] : memref<10000x128xf32, #tpu.memory_space<hbm>> -> memref<10000x128xf32, #tpu.memory_space<hbm>>
        tpu.enqueue_indirect_dma source(%dma_start3A_105 : memref<10000x128xf32, #tpu.memory_space<hbm>>) target(%arg10 : memref<80x128xf32, #tpu.memory_space<vmem>>) offsets(%dma_start3A_102 : memref<80xi32, #tpu.memory_space<vmem>>) semaphore(%arg12 : memref<!tpu.dma_semaphore, #tpu.memory_space<semaphore_mem>>)
      } else {
      }
      %dma_start3A_92 = arith.constant 0 : i32
      %dma_start3A_93 = tpu.memref_slice %arg8[%add3A_73, %dma_start3A_92] : memref<125x80xi32, #tpu.memory_space<vmem>> -> memref<1x80xi32, #tpu.memory_space<vmem>>
      %dma_start3A_94 = tpu.memref_squeeze %dma_start3A_93 : memref<1x80xi32, #tpu.memory_space<vmem>> -> memref<80xi32, #tpu.memory_space<vmem>>
      %dma_start3A_95 = arith.constant 0 : i32
      %dma_start3A_96 = arith.constant 0 : i32
      %dma_start3A_97 = tpu.memref_slice %arg9[%dma_start3A_95, %dma_start3A_96] : memref<10112x128xf32, #tpu.memory_space<vmem_shared>> -> memref<10112x128xf32, #tpu.memory_space<vmem_shared>>
      tpu.enqueue_indirect_dma source(%arg11 : memref<80x128xf32, #tpu.memory_space<vmem>>) target(%dma_start3A_97 : memref<10112x128xf32, #tpu.memory_space<vmem_shared>>) offsets(%dma_start3A_94 : memref<80xi32, #tpu.memory_space<vmem>>) semaphore(%arg15 : memref<!tpu.dma_semaphore, #tpu.memory_space<semaphore_mem>>) {add = true}
    }
    %scan3A_11 = arith.constant 62 : i32
    %dma_wait3A = arith.constant 9920 : i32
    %dma_wait3A_12 = tpu.memref_slice %arg7[%dma_wait3A] : memref<10000xi32, #tpu.memory_space<vmem>> -> memref<80xi32, #tpu.memory_space<vmem>>
    %dma_wait3A_13 = arith.constant 0 : i32
    %dma_wait3A_14 = arith.constant 0 : i32
    %dma_wait3A_15 = tpu.memref_slice %arg2[%dma_wait3A_13, %dma_wait3A_14] : memref<10000x128xf32, #tpu.memory_space<hbm>> -> memref<10000x128xf32, #tpu.memory_space<hbm>>
    tpu.wait_indirect_dma semaphore(%arg12 : memref<!tpu.dma_semaphore, #tpu.memory_space<semaphore_mem>>) src(%dma_wait3A_15 : memref<10000x128xf32, #tpu.memory_space<hbm>>) dst(%arg10 : memref<80x128xf32, #tpu.memory_space<vmem>>)
    %dma_wait3A_16 = arith.constant 123 : i32
    %dma_wait3A_17 = arith.constant 0 : i32
    %dma_wait3A_18 = tpu.memref_slice %arg8[%dma_wait3A_16, %dma_wait3A_17] : memref<125x80xi32, #tpu.memory_space<vmem>> -> memref<1x80xi32, #tpu.memory_space<vmem>>
    %dma_wait3A_19 = tpu.memref_squeeze %dma_wait3A_18 : memref<1x80xi32, #tpu.memory_space<vmem>> -> memref<80xi32, #tpu.memory_space<vmem>>
    %dma_wait3A_20 = arith.constant 0 : i32
    %dma_wait3A_21 = arith.constant 0 : i32
    %dma_wait3A_22 = tpu.memref_slice %arg9[%dma_wait3A_20, %dma_wait3A_21] : memref<10112x128xf32, #tpu.memory_space<vmem_shared>> -> memref<10112x128xf32, #tpu.memory_space<vmem_shared>>
    tpu.wait_indirect_dma semaphore(%arg15 : memref<!tpu.dma_semaphore, #tpu.memory_space<semaphore_mem>>) src(%arg11 : memref<80x128xf32, #tpu.memory_space<vmem>>) dst(%dma_wait3A_22 : memref<10112x128xf32, #tpu.memory_space<vmem_shared>>)
    %dma_start3A_23 = arith.constant 124 : i32
    %dma_start3A_24 = arith.constant 0 : i32
    %dma_start3A_25 = tpu.memref_slice %arg8[%dma_start3A_23, %dma_start3A_24] : memref<125x80xi32, #tpu.memory_space<vmem>> -> memref<1x80xi32, #tpu.memory_space<vmem>>
    %dma_start3A_26 = tpu.memref_squeeze %dma_start3A_25 : memref<1x80xi32, #tpu.memory_space<vmem>> -> memref<80xi32, #tpu.memory_space<vmem>>
    %dma_start3A_27 = arith.constant 0 : i32
    %dma_start3A_28 = arith.constant 0 : i32
    %dma_start3A_29 = tpu.memref_slice %arg9[%dma_start3A_27, %dma_start3A_28] : memref<10112x128xf32, #tpu.memory_space<vmem_shared>> -> memref<10112x128xf32, #tpu.memory_space<vmem_shared>>
    tpu.enqueue_indirect_dma source(%arg10 : memref<80x128xf32, #tpu.memory_space<vmem>>) target(%dma_start3A_29 : memref<10112x128xf32, #tpu.memory_space<vmem_shared>>) offsets(%dma_start3A_26 : memref<80xi32, #tpu.memory_space<vmem>>) semaphore(%arg14 : memref<!tpu.dma_semaphore, #tpu.memory_space<semaphore_mem>>) {add = true}
    %dma_wait3A_30 = arith.constant 124 : i32
    %dma_wait3A_31 = arith.constant 0 : i32
    %dma_wait3A_32 = tpu.memref_slice %arg8[%dma_wait3A_30, %dma_wait3A_31] : memref<125x80xi32, #tpu.memory_space<vmem>> -> memref<1x80xi32, #tpu.memory_space<vmem>>
    %dma_wait3A_33 = tpu.memref_squeeze %dma_wait3A_32 : memref<1x80xi32, #tpu.memory_space<vmem>> -> memref<80xi32, #tpu.memory_space<vmem>>
    %dma_wait3A_34 = arith.constant 0 : i32
    %dma_wait3A_35 = arith.constant 0 : i32
    %dma_wait3A_36 = tpu.memref_slice %arg9[%dma_wait3A_34, %dma_wait3A_35] : memref<10112x128xf32, #tpu.memory_space<vmem_shared>> -> memref<10112x128xf32, #tpu.memory_space<vmem_shared>>
    tpu.wait_indirect_dma semaphore(%arg14 : memref<!tpu.dma_semaphore, #tpu.memory_space<semaphore_mem>>) src(%arg10 : memref<80x128xf32, #tpu.memory_space<vmem>>) dst(%dma_wait3A_36 : memref<10112x128xf32, #tpu.memory_space<vmem_shared>>)
    %barrier3A_37 = arith.constant 0 : index
    tpu.barrier barrier_id(%barrier3A_37)
    %lt3A = arith.constant 15 : i32
    %lt3A_38 = arith.cmpi slt, %arg1, %lt3A : i32
    %convert_element_type3A = arith.extui %lt3A_38 : i1 to i32
    %cond3A = arith.constant 0 : i32
    %cond3A_39 = arith.cmpi ne, %convert_element_type3A, %cond3A : i32
    scf.if %cond3A_39 {
      "tpu.region"() ({
        %run_scoped3A = tpu.sem_alloc : memref<!tpu.dma_semaphore, #tpu.memory_space<semaphore_mem>>
        %dma_start3A_44 = arith.constant 0 : i32
        %dma_start3A_45 = tpu.memref_slice %arg6[%arg0, %mul3A_2, %dma_start3A_44] : memref<2x10000x128xf32, #tpu.memory_space<hbm>> -> memref<1x632x128xf32, #tpu.memory_space<hbm>>
        %dma_start3A_46 = tpu.memref_squeeze %dma_start3A_45 : memref<1x632x128xf32, #tpu.memory_space<hbm>> -> memref<632x128xf32, #tpu.memory_space<hbm>>
        %dma_start3A_47 = arith.constant 0 : i32
        %dma_start3A_48 = tpu.memref_slice %arg9[%mul3A_2, %dma_start3A_47] : memref<10112x128xf32, #tpu.memory_space<vmem_shared>> -> memref<632x128xf32, #tpu.memory_space<vmem_shared>>
        tpu.enqueue_dma source(%dma_start3A_48 : memref<632x128xf32, #tpu.memory_space<vmem_shared>>) target(%dma_start3A_46 : memref<632x128xf32, #tpu.memory_space<hbm>>) target_semaphore(%run_scoped3A : memref<!tpu.dma_semaphore, #tpu.memory_space<semaphore_mem>>)
        %dma_wait3A_49 = arith.constant 0 : i32
        %dma_wait3A_50 = tpu.memref_slice %arg6[%arg0, %mul3A_2, %dma_wait3A_49] : memref<2x10000x128xf32, #tpu.memory_space<hbm>> -> memref<1x632x128xf32, #tpu.memory_space<hbm>>
        %dma_wait3A_51 = tpu.memref_squeeze %dma_wait3A_50 : memref<1x632x128xf32, #tpu.memory_space<hbm>> -> memref<632x128xf32, #tpu.memory_space<hbm>>
        %dma_wait3A_52 = arith.constant 0 : i32
        %dma_wait3A_53 = tpu.memref_slice %arg9[%mul3A_2, %dma_wait3A_52] : memref<10112x128xf32, #tpu.memory_space<vmem_shared>> -> memref<632x128xf32, #tpu.memory_space<vmem_shared>>
        tpu.wait_dma2 semaphore(%run_scoped3A : memref<!tpu.dma_semaphore, #tpu.memory_space<semaphore_mem>>) src(%dma_wait3A_53 : memref<632x128xf32, #tpu.memory_space<vmem_shared>>) dst(%dma_wait3A_51 : memref<632x128xf32, #tpu.memory_space<hbm>>)
        tpu.yield
      }) : () -> ()
    } else {
    }
    %eq3A = arith.constant 15 : i32
    %eq3A_40 = arith.cmpi eq, %arg1, %eq3A : i32
    %convert_element_type3A_41 = arith.extui %eq3A_40 : i1 to i32
    %cond3A_42 = arith.constant 0 : i32
    %cond3A_43 = arith.cmpi ne, %convert_element_type3A_41, %cond3A_42 : i32
    scf.if %cond3A_43 {
      "tpu.region"() ({
        %run_scoped3A = tpu.sem_alloc : memref<!tpu.dma_semaphore, #tpu.memory_space<semaphore_mem>>
        %dma_start3A_44 = arith.constant 0 : i32
        %dma_start3A_45 = tpu.memref_slice %arg6[%arg0, %mul3A_2, %dma_start3A_44] : memref<2x10000x128xf32, #tpu.memory_space<hbm>> -> memref<1x520x128xf32, #tpu.memory_space<hbm>>
        %dma_start3A_46 = tpu.memref_squeeze %dma_start3A_45 : memref<1x520x128xf32, #tpu.memory_space<hbm>> -> memref<520x128xf32, #tpu.memory_space<hbm>>
        %dma_start3A_47 = arith.constant 0 : i32
        %dma_start3A_48 = tpu.memref_slice %arg9[%mul3A_2, %dma_start3A_47] : memref<10112x128xf32, #tpu.memory_space<vmem_shared>> -> memref<520x128xf32, #tpu.memory_space<vmem_shared>>
        tpu.enqueue_dma source(%dma_start3A_48 : memref<520x128xf32, #tpu.memory_space<vmem_shared>>) target(%dma_start3A_46 : memref<520x128xf32, #tpu.memory_space<hbm>>) target_semaphore(%run_scoped3A : memref<!tpu.dma_semaphore, #tpu.memory_space<semaphore_mem>>)
        %dma_wait3A_49 = arith.constant 0 : i32
        %dma_wait3A_50 = tpu.memref_slice %arg6[%arg0, %mul3A_2, %dma_wait3A_49] : memref<2x10000x128xf32, #tpu.memory_space<hbm>> -> memref<1x520x128xf32, #tpu.memory_space<hbm>>
        %dma_wait3A_51 = tpu.memref_squeeze %dma_wait3A_50 : memref<1x520x128xf32, #tpu.memory_space<hbm>> -> memref<520x128xf32, #tpu.memory_space<hbm>>
        %dma_wait3A_52 = arith.constant 0 : i32
        %dma_wait3A_53 = tpu.memref_slice %arg9[%mul3A_2, %dma_wait3A_52] : memref<10112x128xf32, #tpu.memory_space<vmem_shared>> -> memref<520x128xf32, #tpu.memory_space<vmem_shared>>
        tpu.wait_dma2 semaphore(%run_scoped3A : memref<!tpu.dma_semaphore, #tpu.memory_space<semaphore_mem>>) src(%dma_wait3A_53 : memref<520x128xf32, #tpu.memory_space<vmem_shared>>) dst(%dma_wait3A_51 : memref<520x128xf32, #tpu.memory_space<hbm>>)
        tpu.yield
      }) : () -> ()
    } else {
    }
    return
  }
}

#map = affine_map<(d0, d1) -> (0, 0, 0)>
#map1 = affine_map<(d0, d1) -> (0, 0)>
module attributes {stable_mosaic.version = 14 : i64} {
  func.func @_deg_kernel(%arg0: i32, %arg1: i32, %arg2: memref<32x125x80xi32, #tpu.memory_space<hbm>>, %arg3: memref<80x16xf32, #tpu.memory_space<hbm>>, %arg4: memref<10112x16xf32, #tpu.memory_space<hbm>>, %arg5: memref<2x10000x16xf32, #tpu.memory_space<hbm>>, %arg6: memref<125x80xi32, #tpu.memory_space<vmem>>, %arg7: memref<80x16xf32, #tpu.memory_space<vmem>>, %arg8: memref<10112x16xf32, #tpu.memory_space<vmem_shared>>, %arg9: memref<!tpu.dma_semaphore, #tpu.memory_space<semaphore_mem>>, %arg10: memref<!tpu.dma_semaphore, #tpu.memory_space<semaphore_mem>>) attributes {dimension_semantics = [#tpu.dimension_semantics<core_parallel>, #tpu.dimension_semantics<subcore_parallel>], iteration_bounds = array<i64: 2, 16>, scalar_prefetch = 0 : i64, scratch_operands = 5 : i64, tpu.core_type = #tpu.core_type<sc_vector_subcore>, window_params = [{transform_indices = #map}, {transform_indices = #map1}, {transform_indices = #map1}, {transform_indices = #map}]} {
    %mul3A = arith.constant 16 : i32
    %mul3A_0 = arith.muli %arg0, %mul3A : i32
    %add3A = arith.addi %mul3A_0, %arg1 : i32
    "tpu.region"() ({
      %run_scoped3A = tpu.sem_alloc : memref<!tpu.dma_semaphore, #tpu.memory_space<semaphore_mem>>
      %dma_start3A_41 = arith.constant 0 : i32
      %dma_start3A_42 = arith.constant 0 : i32
      %dma_start3A_43 = tpu.memref_slice %arg2[%add3A, %dma_start3A_41, %dma_start3A_42] : memref<32x125x80xi32, #tpu.memory_space<hbm>> -> memref<1x125x80xi32, #tpu.memory_space<hbm>>
      %dma_start3A_44 = tpu.memref_squeeze %dma_start3A_43 : memref<1x125x80xi32, #tpu.memory_space<hbm>> -> memref<125x80xi32, #tpu.memory_space<hbm>>
      %dma_start3A_45 = arith.constant 0 : i32
      %dma_start3A_46 = arith.constant 0 : i32
      %dma_start3A_47 = tpu.memref_slice %arg2[%add3A, %dma_start3A_45, %dma_start3A_46] : memref<32x125x80xi32, #tpu.memory_space<hbm>> -> memref<1x125x80xi32, #tpu.memory_space<hbm>>
      %dma_start3A_48 = tpu.memref_squeeze %dma_start3A_47 : memref<1x125x80xi32, #tpu.memory_space<hbm>> -> memref<125x80xi32, #tpu.memory_space<hbm>>
      tpu.enqueue_dma source(%dma_start3A_48 : memref<125x80xi32, #tpu.memory_space<hbm>>) target(%arg6 : memref<125x80xi32, #tpu.memory_space<vmem>>) target_semaphore(%run_scoped3A : memref<!tpu.dma_semaphore, #tpu.memory_space<semaphore_mem>>)
      %dma_wait3A_49 = arith.constant 0 : i32
      %dma_wait3A_50 = arith.constant 0 : i32
      %dma_wait3A_51 = tpu.memref_slice %arg2[%add3A, %dma_wait3A_49, %dma_wait3A_50] : memref<32x125x80xi32, #tpu.memory_space<hbm>> -> memref<1x125x80xi32, #tpu.memory_space<hbm>>
      %dma_wait3A_52 = tpu.memref_squeeze %dma_wait3A_51 : memref<1x125x80xi32, #tpu.memory_space<hbm>> -> memref<125x80xi32, #tpu.memory_space<hbm>>
      %dma_wait3A_53 = arith.constant 0 : i32
      %dma_wait3A_54 = arith.constant 0 : i32
      %dma_wait3A_55 = tpu.memref_slice %arg2[%add3A, %dma_wait3A_53, %dma_wait3A_54] : memref<32x125x80xi32, #tpu.memory_space<hbm>> -> memref<1x125x80xi32, #tpu.memory_space<hbm>>
      %dma_wait3A_56 = tpu.memref_squeeze %dma_wait3A_55 : memref<1x125x80xi32, #tpu.memory_space<hbm>> -> memref<125x80xi32, #tpu.memory_space<hbm>>
      tpu.wait_dma2 semaphore(%run_scoped3A : memref<!tpu.dma_semaphore, #tpu.memory_space<semaphore_mem>>) src(%dma_wait3A_56 : memref<125x80xi32, #tpu.memory_space<hbm>>) dst(%arg6 : memref<125x80xi32, #tpu.memory_space<vmem>>)
      tpu.yield
    }) : () -> ()
    "tpu.region"() ({
      %run_scoped3A = tpu.sem_alloc : memref<!tpu.dma_semaphore, #tpu.memory_space<semaphore_mem>>
      tpu.enqueue_dma source(%arg3 : memref<80x16xf32, #tpu.memory_space<hbm>>) target(%arg7 : memref<80x16xf32, #tpu.memory_space<vmem>>) target_semaphore(%run_scoped3A : memref<!tpu.dma_semaphore, #tpu.memory_space<semaphore_mem>>)
      tpu.wait_dma2 semaphore(%run_scoped3A : memref<!tpu.dma_semaphore, #tpu.memory_space<semaphore_mem>>) src(%arg3 : memref<80x16xf32, #tpu.memory_space<hbm>>) dst(%arg7 : memref<80x16xf32, #tpu.memory_space<vmem>>)
      tpu.yield
    }) : () -> ()
    %mul3A_1 = arith.constant 632 : i32
    %mul3A_2 = arith.muli %arg1, %mul3A_1 : i32
    "tpu.region"() ({
      %run_scoped3A = tpu.sem_alloc : memref<!tpu.dma_semaphore, #tpu.memory_space<semaphore_mem>>
      %dma_start3A_41 = arith.constant 0 : i32
      %dma_start3A_42 = tpu.memref_slice %arg8[%mul3A_2, %dma_start3A_41] : memref<10112x16xf32, #tpu.memory_space<vmem_shared>> -> memref<632x16xf32, #tpu.memory_space<vmem_shared>>
      %dma_start3A_43 = arith.constant 0 : i32
      %dma_start3A_44 = tpu.memref_slice %arg4[%mul3A_2, %dma_start3A_43] : memref<10112x16xf32, #tpu.memory_space<hbm>> -> memref<632x16xf32, #tpu.memory_space<hbm>>
      tpu.enqueue_dma source(%dma_start3A_44 : memref<632x16xf32, #tpu.memory_space<hbm>>) target(%dma_start3A_42 : memref<632x16xf32, #tpu.memory_space<vmem_shared>>) target_semaphore(%run_scoped3A : memref<!tpu.dma_semaphore, #tpu.memory_space<semaphore_mem>>)
      %dma_wait3A_45 = arith.constant 0 : i32
      %dma_wait3A_46 = tpu.memref_slice %arg8[%mul3A_2, %dma_wait3A_45] : memref<10112x16xf32, #tpu.memory_space<vmem_shared>> -> memref<632x16xf32, #tpu.memory_space<vmem_shared>>
      %dma_wait3A_47 = arith.constant 0 : i32
      %dma_wait3A_48 = tpu.memref_slice %arg4[%mul3A_2, %dma_wait3A_47] : memref<10112x16xf32, #tpu.memory_space<hbm>> -> memref<632x16xf32, #tpu.memory_space<hbm>>
      tpu.wait_dma2 semaphore(%run_scoped3A : memref<!tpu.dma_semaphore, #tpu.memory_space<semaphore_mem>>) src(%dma_wait3A_48 : memref<632x16xf32, #tpu.memory_space<hbm>>) dst(%dma_wait3A_46 : memref<632x16xf32, #tpu.memory_space<vmem_shared>>)
      tpu.yield
    }) : () -> ()
    %barrier3A = arith.constant 0 : index
    tpu.barrier barrier_id(%barrier3A)
    %scan3A = arith.constant 0 : i32
    %scan3A_3 = arith.constant 0 : i32
    %scan3A_4 = arith.constant 62 : i32
    %scan3A_5 = arith.addi %scan3A_3, %scan3A_4 : i32
    %scan3A_6 = arith.constant 1 : i32
    scf.for %scan3A_41 = %scan3A_3 to %scan3A_5 step %scan3A_6  : i32 {
      %mul3A_42 = arith.constant 2 : i32
      %mul3A_43 = arith.muli %mul3A_42, %scan3A_41 : i32
      %ge3A = arith.constant 2 : i32
      %ge3A_44 = arith.cmpi sge, %mul3A_43, %ge3A : i32
      %convert_element_type3A_45 = arith.extui %ge3A_44 : i1 to i32
      %cond3A_46 = arith.constant 0 : i32
      %cond3A_47 = arith.cmpi ne, %convert_element_type3A_45, %cond3A_46 : i32
      scf.if %cond3A_47 {
        %sub3A = arith.constant 2 : i32
        %sub3A_69 = arith.subi %mul3A_43, %sub3A : i32
        %dma_wait3A_70 = arith.constant 0 : i32
        %dma_wait3A_71 = tpu.memref_slice %arg6[%sub3A_69, %dma_wait3A_70] : memref<125x80xi32, #tpu.memory_space<vmem>> -> memref<1x80xi32, #tpu.memory_space<vmem>>
        %dma_wait3A_72 = tpu.memref_squeeze %dma_wait3A_71 : memref<1x80xi32, #tpu.memory_space<vmem>> -> memref<80xi32, #tpu.memory_space<vmem>>
        %dma_wait3A_73 = arith.constant 0 : i32
        %dma_wait3A_74 = arith.constant 0 : i32
        %dma_wait3A_75 = tpu.memref_slice %arg8[%dma_wait3A_73, %dma_wait3A_74] : memref<10112x16xf32, #tpu.memory_space<vmem_shared>> -> memref<10112x16xf32, #tpu.memory_space<vmem_shared>>
        tpu.wait_indirect_dma semaphore(%arg9 : memref<!tpu.dma_semaphore, #tpu.memory_space<semaphore_mem>>) src(%arg7 : memref<80x16xf32, #tpu.memory_space<vmem>>) dst(%dma_wait3A_75 : memref<10112x16xf32, #tpu.memory_space<vmem_shared>>)
      } else {
      }
      %dma_start3A_48 = arith.constant 0 : i32
      %dma_start3A_49 = tpu.memref_slice %arg6[%mul3A_43, %dma_start3A_48] : memref<125x80xi32, #tpu.memory_space<vmem>> -> memref<1x80xi32, #tpu.memory_space<vmem>>
      %dma_start3A_50 = tpu.memref_squeeze %dma_start3A_49 : memref<1x80xi32, #tpu.memory_space<vmem>> -> memref<80xi32, #tpu.memory_space<vmem>>
      %dma_start3A_51 = arith.constant 0 : i32
      %dma_start3A_52 = arith.constant 0 : i32
      %dma_start3A_53 = tpu.memref_slice %arg8[%dma_start3A_51, %dma_start3A_52] : memref<10112x16xf32, #tpu.memory_space<vmem_shared>> -> memref<10112x16xf32, #tpu.memory_space<vmem_shared>>
      tpu.enqueue_indirect_dma source(%arg7 : memref<80x16xf32, #tpu.memory_space<vmem>>) target(%dma_start3A_53 : memref<10112x16xf32, #tpu.memory_space<vmem_shared>>) offsets(%dma_start3A_50 : memref<80xi32, #tpu.memory_space<vmem>>) semaphore(%arg9 : memref<!tpu.dma_semaphore, #tpu.memory_space<semaphore_mem>>) {add = true}
      %mul3A_54 = arith.constant 2 : i32
      %mul3A_55 = arith.muli %mul3A_54, %scan3A_41 : i32
      %add3A_56 = arith.constant 1 : i32
      %add3A_57 = arith.addi %mul3A_55, %add3A_56 : i32
      %ge3A_58 = arith.constant 2 : i32
      %ge3A_59 = arith.cmpi sge, %add3A_57, %ge3A_58 : i32
      %convert_element_type3A_60 = arith.extui %ge3A_59 : i1 to i32
      %cond3A_61 = arith.constant 0 : i32
      %cond3A_62 = arith.cmpi ne, %convert_element_type3A_60, %cond3A_61 : i32
      scf.if %cond3A_62 {
        %sub3A = arith.constant 2 : i32
        %sub3A_69 = arith.subi %add3A_57, %sub3A : i32
        %dma_wait3A_70 = arith.constant 0 : i32
        %dma_wait3A_71 = tpu.memref_slice %arg6[%sub3A_69, %dma_wait3A_70] : memref<125x80xi32, #tpu.memory_space<vmem>> -> memref<1x80xi32, #tpu.memory_space<vmem>>
        %dma_wait3A_72 = tpu.memref_squeeze %dma_wait3A_71 : memref<1x80xi32, #tpu.memory_space<vmem>> -> memref<80xi32, #tpu.memory_space<vmem>>
        %dma_wait3A_73 = arith.constant 0 : i32
        %dma_wait3A_74 = arith.constant 0 : i32
        %dma_wait3A_75 = tpu.memref_slice %arg8[%dma_wait3A_73, %dma_wait3A_74] : memref<10112x16xf32, #tpu.memory_space<vmem_shared>> -> memref<10112x16xf32, #tpu.memory_space<vmem_shared>>
        tpu.wait_indirect_dma semaphore(%arg10 : memref<!tpu.dma_semaphore, #tpu.memory_space<semaphore_mem>>) src(%arg7 : memref<80x16xf32, #tpu.memory_space<vmem>>) dst(%dma_wait3A_75 : memref<10112x16xf32, #tpu.memory_space<vmem_shared>>)
      } else {
      }
      %dma_start3A_63 = arith.constant 0 : i32
      %dma_start3A_64 = tpu.memref_slice %arg6[%add3A_57, %dma_start3A_63] : memref<125x80xi32, #tpu.memory_space<vmem>> -> memref<1x80xi32, #tpu.memory_space<vmem>>
      %dma_start3A_65 = tpu.memref_squeeze %dma_start3A_64 : memref<1x80xi32, #tpu.memory_space<vmem>> -> memref<80xi32, #tpu.memory_space<vmem>>
      %dma_start3A_66 = arith.constant 0 : i32
      %dma_start3A_67 = arith.constant 0 : i32
      %dma_start3A_68 = tpu.memref_slice %arg8[%dma_start3A_66, %dma_start3A_67] : memref<10112x16xf32, #tpu.memory_space<vmem_shared>> -> memref<10112x16xf32, #tpu.memory_space<vmem_shared>>
      tpu.enqueue_indirect_dma source(%arg7 : memref<80x16xf32, #tpu.memory_space<vmem>>) target(%dma_start3A_68 : memref<10112x16xf32, #tpu.memory_space<vmem_shared>>) offsets(%dma_start3A_65 : memref<80xi32, #tpu.memory_space<vmem>>) semaphore(%arg10 : memref<!tpu.dma_semaphore, #tpu.memory_space<semaphore_mem>>) {add = true}
    }
    %scan3A_7 = arith.constant 62 : i32
    %dma_wait3A = arith.constant 122 : i32
    %dma_wait3A_8 = arith.constant 0 : i32
    %dma_wait3A_9 = tpu.memref_slice %arg6[%dma_wait3A, %dma_wait3A_8] : memref<125x80xi32, #tpu.memory_space<vmem>> -> memref<1x80xi32, #tpu.memory_space<vmem>>
    %dma_wait3A_10 = tpu.memref_squeeze %dma_wait3A_9 : memref<1x80xi32, #tpu.memory_space<vmem>> -> memref<80xi32, #tpu.memory_space<vmem>>
    %dma_wait3A_11 = arith.constant 0 : i32
    %dma_wait3A_12 = arith.constant 0 : i32
    %dma_wait3A_13 = tpu.memref_slice %arg8[%dma_wait3A_11, %dma_wait3A_12] : memref<10112x16xf32, #tpu.memory_space<vmem_shared>> -> memref<10112x16xf32, #tpu.memory_space<vmem_shared>>
    tpu.wait_indirect_dma semaphore(%arg9 : memref<!tpu.dma_semaphore, #tpu.memory_space<semaphore_mem>>) src(%arg7 : memref<80x16xf32, #tpu.memory_space<vmem>>) dst(%dma_wait3A_13 : memref<10112x16xf32, #tpu.memory_space<vmem_shared>>)
    %dma_start3A = arith.constant 124 : i32
    %dma_start3A_14 = arith.constant 0 : i32
    %dma_start3A_15 = tpu.memref_slice %arg6[%dma_start3A, %dma_start3A_14] : memref<125x80xi32, #tpu.memory_space<vmem>> -> memref<1x80xi32, #tpu.memory_space<vmem>>
    %dma_start3A_16 = tpu.memref_squeeze %dma_start3A_15 : memref<1x80xi32, #tpu.memory_space<vmem>> -> memref<80xi32, #tpu.memory_space<vmem>>
    %dma_start3A_17 = arith.constant 0 : i32
    %dma_start3A_18 = arith.constant 0 : i32
    %dma_start3A_19 = tpu.memref_slice %arg8[%dma_start3A_17, %dma_start3A_18] : memref<10112x16xf32, #tpu.memory_space<vmem_shared>> -> memref<10112x16xf32, #tpu.memory_space<vmem_shared>>
    tpu.enqueue_indirect_dma source(%arg7 : memref<80x16xf32, #tpu.memory_space<vmem>>) target(%dma_start3A_19 : memref<10112x16xf32, #tpu.memory_space<vmem_shared>>) offsets(%dma_start3A_16 : memref<80xi32, #tpu.memory_space<vmem>>) semaphore(%arg9 : memref<!tpu.dma_semaphore, #tpu.memory_space<semaphore_mem>>) {add = true}
    %dma_wait3A_20 = arith.constant 123 : i32
    %dma_wait3A_21 = arith.constant 0 : i32
    %dma_wait3A_22 = tpu.memref_slice %arg6[%dma_wait3A_20, %dma_wait3A_21] : memref<125x80xi32, #tpu.memory_space<vmem>> -> memref<1x80xi32, #tpu.memory_space<vmem>>
    %dma_wait3A_23 = tpu.memref_squeeze %dma_wait3A_22 : memref<1x80xi32, #tpu.memory_space<vmem>> -> memref<80xi32, #tpu.memory_space<vmem>>
    %dma_wait3A_24 = arith.constant 0 : i32
    %dma_wait3A_25 = arith.constant 0 : i32
    %dma_wait3A_26 = tpu.memref_slice %arg8[%dma_wait3A_24, %dma_wait3A_25] : memref<10112x16xf32, #tpu.memory_space<vmem_shared>> -> memref<10112x16xf32, #tpu.memory_space<vmem_shared>>
    tpu.wait_indirect_dma semaphore(%arg10 : memref<!tpu.dma_semaphore, #tpu.memory_space<semaphore_mem>>) src(%arg7 : memref<80x16xf32, #tpu.memory_space<vmem>>) dst(%dma_wait3A_26 : memref<10112x16xf32, #tpu.memory_space<vmem_shared>>)
    %dma_wait3A_27 = arith.constant 124 : i32
    %dma_wait3A_28 = arith.constant 0 : i32
    %dma_wait3A_29 = tpu.memref_slice %arg6[%dma_wait3A_27, %dma_wait3A_28] : memref<125x80xi32, #tpu.memory_space<vmem>> -> memref<1x80xi32, #tpu.memory_space<vmem>>
    %dma_wait3A_30 = tpu.memref_squeeze %dma_wait3A_29 : memref<1x80xi32, #tpu.memory_space<vmem>> -> memref<80xi32, #tpu.memory_space<vmem>>
    %dma_wait3A_31 = arith.constant 0 : i32
    %dma_wait3A_32 = arith.constant 0 : i32
    %dma_wait3A_33 = tpu.memref_slice %arg8[%dma_wait3A_31, %dma_wait3A_32] : memref<10112x16xf32, #tpu.memory_space<vmem_shared>> -> memref<10112x16xf32, #tpu.memory_space<vmem_shared>>
    tpu.wait_indirect_dma semaphore(%arg9 : memref<!tpu.dma_semaphore, #tpu.memory_space<semaphore_mem>>) src(%arg7 : memref<80x16xf32, #tpu.memory_space<vmem>>) dst(%dma_wait3A_33 : memref<10112x16xf32, #tpu.memory_space<vmem_shared>>)
    %barrier3A_34 = arith.constant 0 : index
    tpu.barrier barrier_id(%barrier3A_34)
    %lt3A = arith.constant 15 : i32
    %lt3A_35 = arith.cmpi slt, %arg1, %lt3A : i32
    %convert_element_type3A = arith.extui %lt3A_35 : i1 to i32
    %cond3A = arith.constant 0 : i32
    %cond3A_36 = arith.cmpi ne, %convert_element_type3A, %cond3A : i32
    scf.if %cond3A_36 {
      "tpu.region"() ({
        %run_scoped3A = tpu.sem_alloc : memref<!tpu.dma_semaphore, #tpu.memory_space<semaphore_mem>>
        %dma_start3A_41 = arith.constant 0 : i32
        %dma_start3A_42 = tpu.memref_slice %arg5[%arg0, %mul3A_2, %dma_start3A_41] : memref<2x10000x16xf32, #tpu.memory_space<hbm>> -> memref<1x632x16xf32, #tpu.memory_space<hbm>>
        %dma_start3A_43 = tpu.memref_squeeze %dma_start3A_42 : memref<1x632x16xf32, #tpu.memory_space<hbm>> -> memref<632x16xf32, #tpu.memory_space<hbm>>
        %dma_start3A_44 = arith.constant 0 : i32
        %dma_start3A_45 = tpu.memref_slice %arg8[%mul3A_2, %dma_start3A_44] : memref<10112x16xf32, #tpu.memory_space<vmem_shared>> -> memref<632x16xf32, #tpu.memory_space<vmem_shared>>
        tpu.enqueue_dma source(%dma_start3A_45 : memref<632x16xf32, #tpu.memory_space<vmem_shared>>) target(%dma_start3A_43 : memref<632x16xf32, #tpu.memory_space<hbm>>) target_semaphore(%run_scoped3A : memref<!tpu.dma_semaphore, #tpu.memory_space<semaphore_mem>>)
        %dma_wait3A_46 = arith.constant 0 : i32
        %dma_wait3A_47 = tpu.memref_slice %arg5[%arg0, %mul3A_2, %dma_wait3A_46] : memref<2x10000x16xf32, #tpu.memory_space<hbm>> -> memref<1x632x16xf32, #tpu.memory_space<hbm>>
        %dma_wait3A_48 = tpu.memref_squeeze %dma_wait3A_47 : memref<1x632x16xf32, #tpu.memory_space<hbm>> -> memref<632x16xf32, #tpu.memory_space<hbm>>
        %dma_wait3A_49 = arith.constant 0 : i32
        %dma_wait3A_50 = tpu.memref_slice %arg8[%mul3A_2, %dma_wait3A_49] : memref<10112x16xf32, #tpu.memory_space<vmem_shared>> -> memref<632x16xf32, #tpu.memory_space<vmem_shared>>
        tpu.wait_dma2 semaphore(%run_scoped3A : memref<!tpu.dma_semaphore, #tpu.memory_space<semaphore_mem>>) src(%dma_wait3A_50 : memref<632x16xf32, #tpu.memory_space<vmem_shared>>) dst(%dma_wait3A_48 : memref<632x16xf32, #tpu.memory_space<hbm>>)
        tpu.yield
      }) : () -> ()
    } else {
    }
    %eq3A = arith.constant 15 : i32
    %eq3A_37 = arith.cmpi eq, %arg1, %eq3A : i32
    %convert_element_type3A_38 = arith.extui %eq3A_37 : i1 to i32
    %cond3A_39 = arith.constant 0 : i32
    %cond3A_40 = arith.cmpi ne, %convert_element_type3A_38, %cond3A_39 : i32
    scf.if %cond3A_40 {
      "tpu.region"() ({
        %run_scoped3A = tpu.sem_alloc : memref<!tpu.dma_semaphore, #tpu.memory_space<semaphore_mem>>
        %dma_start3A_41 = arith.constant 0 : i32
        %dma_start3A_42 = tpu.memref_slice %arg5[%arg0, %mul3A_2, %dma_start3A_41] : memref<2x10000x16xf32, #tpu.memory_space<hbm>> -> memref<1x520x16xf32, #tpu.memory_space<hbm>>
        %dma_start3A_43 = tpu.memref_squeeze %dma_start3A_42 : memref<1x520x16xf32, #tpu.memory_space<hbm>> -> memref<520x16xf32, #tpu.memory_space<hbm>>
        %dma_start3A_44 = arith.constant 0 : i32
        %dma_start3A_45 = tpu.memref_slice %arg8[%mul3A_2, %dma_start3A_44] : memref<10112x16xf32, #tpu.memory_space<vmem_shared>> -> memref<520x16xf32, #tpu.memory_space<vmem_shared>>
        tpu.enqueue_dma source(%dma_start3A_45 : memref<520x16xf32, #tpu.memory_space<vmem_shared>>) target(%dma_start3A_43 : memref<520x16xf32, #tpu.memory_space<hbm>>) target_semaphore(%run_scoped3A : memref<!tpu.dma_semaphore, #tpu.memory_space<semaphore_mem>>)
        %dma_wait3A_46 = arith.constant 0 : i32
        %dma_wait3A_47 = tpu.memref_slice %arg5[%arg0, %mul3A_2, %dma_wait3A_46] : memref<2x10000x16xf32, #tpu.memory_space<hbm>> -> memref<1x520x16xf32, #tpu.memory_space<hbm>>
        %dma_wait3A_48 = tpu.memref_squeeze %dma_wait3A_47 : memref<1x520x16xf32, #tpu.memory_space<hbm>> -> memref<520x16xf32, #tpu.memory_space<hbm>>
        %dma_wait3A_49 = arith.constant 0 : i32
        %dma_wait3A_50 = tpu.memref_slice %arg8[%mul3A_2, %dma_wait3A_49] : memref<10112x16xf32, #tpu.memory_space<vmem_shared>> -> memref<520x16xf32, #tpu.memory_space<vmem_shared>>
        tpu.wait_dma2 semaphore(%run_scoped3A : memref<!tpu.dma_semaphore, #tpu.memory_space<semaphore_mem>>) src(%dma_wait3A_50 : memref<520x16xf32, #tpu.memory_space<vmem_shared>>) dst(%dma_wait3A_48 : memref<520x16xf32, #tpu.memory_space<hbm>>)
        tpu.yield
      }) : () -> ()
    } else {
    }
    return
  }
}

module attributes {stable_mosaic.version = 14 : i64} {
  func.func @_mm1_body(%arg0: i32, %arg1: memref<2x2000x16xf32, #tpu.memory_space<vmem>>, %arg2: memref<2000x128xf32, #tpu.memory_space<vmem>>, %arg3: memref<128x128xf32, #tpu.memory_space<vmem>>, %arg4: memref<2000x128xf32, #tpu.memory_space<vmem>>, %arg5: memref<2000x1xf32, #tpu.memory_space<vmem>>) attributes {dimension_semantics = [#tpu.dimension_semantics<arbitrary>], iteration_bounds = array<i64: 5>, scalar_prefetch = 0 : i64, scratch_operands = 0 : i64, tpu.core_type = #tpu.core_type<tc>, window_params = [{transform_indices = @transform_0, window_bounds = array<i64: 2, 2000, 16>}, {transform_indices = @transform_1, window_bounds = array<i64: 2000, 128>}, {pipeline_mode = #tpu.pipeline_mode<synchronous>, transform_indices = @transform_2, window_bounds = array<i64: 128, 128>}, {transform_indices = @transform_3, window_bounds = array<i64: 2000, 128>}, {transform_indices = @transform_4, window_bounds = array<i64: 2000, 1>}]} {
    %get3A = arith.constant 0 : index
    %get3A_0 = arith.constant 0 : index
    %get3A_1 = arith.constant 0 : index
    %get3A_2 = vector.load %arg1[%get3A, %get3A_0, %get3A_1] : memref<2x2000x16xf32, #tpu.memory_space<vmem>>, vector<1x2000x1xf32>
    %get3A_3 = vector.shape_cast %get3A_2 : vector<1x2000x1xf32> to vector<2000x1xf32>
    %get3A_4 = arith.constant 1 : index
    %get3A_5 = arith.constant 0 : index
    %get3A_6 = arith.constant 0 : index
    %get3A_7 = vector.load %arg1[%get3A_4, %get3A_5, %get3A_6] : memref<2x2000x16xf32, #tpu.memory_space<vmem>>, vector<1x2000x1xf32>
    %get3A_8 = vector.shape_cast %get3A_7 : vector<1x2000x1xf32> to vector<2000x1xf32>
    %add3A = arith.addf %get3A_3, %get3A_8 : vector<2000x1xf32>
    %rsqrt3A = math.rsqrt %add3A : vector<2000x1xf32>
    %get3A_9 = arith.constant 0 : index
    %get3A_10 = arith.constant 0 : index
    %get3A_11 = vector.load %arg2[%get3A_9, %get3A_10] : memref<2000x128xf32, #tpu.memory_space<vmem>>, vector<2000x128xf32>
    %get3A_12 = arith.constant 0 : index
    %get3A_13 = arith.constant 0 : index
    %get3A_14 = vector.load %arg3[%get3A_12, %get3A_13] : memref<128x128xf32, #tpu.memory_space<vmem>>, vector<128x128xf32>
    %dot_general3A = arith.constant dense<0.000000e+00> : vector<2000x128xf32>
    %dot_general3A_15 = tpu.matmul %get3A_11, %get3A_14, %dot_general3A {dimension_numbers = #tpu.dot_dimension_numbers<[1], [0], [0], [1], [0, 0, 1, 1], [], []>, transpose_lhs_hint = false} : vector<2000x128xf32>, vector<128x128xf32>, vector<2000x128xf32> -> vector<2000x128xf32>
    %mul3A = vector.broadcast %rsqrt3A : vector<2000x1xf32> to vector<2000x128xf32>
    %mul3A_16 = arith.mulf %dot_general3A_15, %mul3A : vector<2000x128xf32>
    %swap3A = arith.constant 0 : index
    %swap3A_17 = arith.constant 0 : index
    %swap3A_18 = vector.load %arg4[%swap3A, %swap3A_17] : memref<2000x128xf32, #tpu.memory_space<vmem>>, vector<2000x128xf32>
    tpu.vector_store %arg4[%swap3A, %swap3A_17], %mul3A_16 {strides = array<i32>} : memref<2000x128xf32, #tpu.memory_space<vmem>>, vector<2000x128xf32>,
    %swap3A_19 = arith.constant 0 : index
    %swap3A_20 = arith.constant 0 : index
    %swap3A_21 = vector.load %arg5[%swap3A_19, %swap3A_20] : memref<2000x1xf32, #tpu.memory_space<vmem>>, vector<2000x1xf32>
    tpu.vector_store %arg5[%swap3A_19, %swap3A_20], %rsqrt3A {strides = array<i32>} : memref<2000x1xf32, #tpu.memory_space<vmem>>, vector<2000x1xf32>,
    return
  }
  func.func @transform_0(%arg0: i32) -> (i32, i32, i32) {
    %c0_i32 = arith.constant 0 : i32
    %c0_i32_0 = arith.constant 0 : i32
    %c0_i32_1 = arith.constant 0 : i32
    return %c0_i32, %arg0, %c0_i32_0 : i32, i32, i32
  }
  func.func @transform_1(%arg0: i32) -> (i32, i32) {
    %c0_i32 = arith.constant 0 : i32
    %c0_i32_0 = arith.constant 0 : i32
    return %arg0, %c0_i32 : i32, i32
  }
  func.func @transform_2(%arg0: i32) -> (i32, i32) {
    %c0_i32 = arith.constant 0 : i32
    %c0_i32_0 = arith.constant 0 : i32
    %c0_i32_1 = arith.constant 0 : i32
    return %c0_i32, %c0_i32_0 : i32, i32
  }
  func.func @transform_3(%arg0: i32) -> (i32, i32) {
    %c0_i32 = arith.constant 0 : i32
    %c0_i32_0 = arith.constant 0 : i32
    return %arg0, %c0_i32 : i32, i32
  }
  func.func @transform_4(%arg0: i32) -> (i32, i32) {
    %c0_i32 = arith.constant 0 : i32
    %c0_i32_0 = arith.constant 0 : i32
    return %arg0, %c0_i32 : i32, i32
  }
}

module attributes {stable_mosaic.version = 14 : i64} {
  func.func @_mid_body(%arg0: i32, %arg1: memref<2x2000x128xf32, #tpu.memory_space<vmem>>, %arg2: memref<2000x128xf32, #tpu.memory_space<vmem>>, %arg3: memref<2000x1xf32, #tpu.memory_space<vmem>>, %arg4: memref<1x128xf32, #tpu.memory_space<vmem>>, %arg5: memref<128x128xf32, #tpu.memory_space<vmem>>, %arg6: memref<2000x128xf32, #tpu.memory_space<vmem>>) attributes {dimension_semantics = [#tpu.dimension_semantics<arbitrary>], iteration_bounds = array<i64: 5>, scalar_prefetch = 0 : i64, scratch_operands = 0 : i64, tpu.core_type = #tpu.core_type<tc>, window_params = [{transform_indices = @transform_0, window_bounds = array<i64: 2, 2000, 128>}, {transform_indices = @transform_1, window_bounds = array<i64: 2000, 128>}, {transform_indices = @transform_2, window_bounds = array<i64: 2000, 1>}, {pipeline_mode = #tpu.pipeline_mode<synchronous>, transform_indices = @transform_3, window_bounds = array<i64: 1, 128>}, {pipeline_mode = #tpu.pipeline_mode<synchronous>, transform_indices = @transform_4, window_bounds = array<i64: 128, 128>}, {transform_indices = @transform_5, window_bounds = array<i64: 2000, 128>}]} {
    %get3A = arith.constant 0 : index
    %get3A_0 = arith.constant 0 : index
    %get3A_1 = vector.load %arg3[%get3A, %get3A_0] : memref<2000x1xf32, #tpu.memory_space<vmem>>, vector<2000x1xf32>
    %get3A_2 = arith.constant 0 : index
    %get3A_3 = arith.constant 0 : index
    %get3A_4 = arith.constant 0 : index
    %get3A_5 = vector.load %arg1[%get3A_2, %get3A_3, %get3A_4] : memref<2x2000x128xf32, #tpu.memory_space<vmem>>, vector<1x2000x128xf32>
    %get3A_6 = vector.shape_cast %get3A_5 : vector<1x2000x128xf32> to vector<2000x128xf32>
    %get3A_7 = arith.constant 1 : index
    %get3A_8 = arith.constant 0 : index
    %get3A_9 = arith.constant 0 : index
    %get3A_10 = vector.load %arg1[%get3A_7, %get3A_8, %get3A_9] : memref<2x2000x128xf32, #tpu.memory_space<vmem>>, vector<1x2000x128xf32>
    %get3A_11 = vector.shape_cast %get3A_10 : vector<1x2000x128xf32> to vector<2000x128xf32>
    %add3A = arith.addf %get3A_6, %get3A_11 : vector<2000x128xf32>
    %get3A_12 = arith.constant 0 : index
    %get3A_13 = arith.constant 0 : index
    %get3A_14 = vector.load %arg2[%get3A_12, %get3A_13] : memref<2000x128xf32, #tpu.memory_space<vmem>>, vector<2000x128xf32>
    %add3A_15 = arith.addf %add3A, %get3A_14 : vector<2000x128xf32>
    %mul3A = vector.broadcast %get3A_1 : vector<2000x1xf32> to vector<2000x128xf32>
    %mul3A_16 = arith.mulf %mul3A, %add3A_15 : vector<2000x128xf32>
    %get3A_17 = arith.constant 0 : index
    %get3A_18 = arith.constant 0 : index
    %get3A_19 = vector.load %arg4[%get3A_17, %get3A_18] : memref<1x128xf32, #tpu.memory_space<vmem>>, vector<1x128xf32>
    %add3A_20 = vector.broadcast %get3A_19 : vector<1x128xf32> to vector<2000x128xf32>
    %add3A_21 = arith.addf %mul3A_16, %add3A_20 : vector<2000x128xf32>
    %max3A = arith.constant 0.000000e+00 : f32
    %max3A_22 = vector.broadcast %max3A : f32 to vector<2000x128xf32>
    %max3A_23 = arith.maximumf %add3A_21, %max3A_22 : vector<2000x128xf32>
    %get3A_24 = arith.constant 0 : index
    %get3A_25 = arith.constant 0 : index
    %get3A_26 = vector.load %arg5[%get3A_24, %get3A_25] : memref<128x128xf32, #tpu.memory_space<vmem>>, vector<128x128xf32>
    %dot_general3A = arith.constant dense<0.000000e+00> : vector<2000x128xf32>
    %dot_general3A_27 = tpu.matmul %max3A_23, %get3A_26, %dot_general3A {dimension_numbers = #tpu.dot_dimension_numbers<[1], [0], [0], [1], [0, 0, 1, 1], [], []>, transpose_lhs_hint = false} : vector<2000x128xf32>, vector<128x128xf32>, vector<2000x128xf32> -> vector<2000x128xf32>
    %mul3A_28 = vector.broadcast %get3A_1 : vector<2000x1xf32> to vector<2000x128xf32>
    %mul3A_29 = arith.mulf %dot_general3A_27, %mul3A_28 : vector<2000x128xf32>
    %swap3A = arith.constant 0 : index
    %swap3A_30 = arith.constant 0 : index
    %swap3A_31 = vector.load %arg6[%swap3A, %swap3A_30] : memref<2000x128xf32, #tpu.memory_space<vmem>>, vector<2000x128xf32>
    tpu.vector_store %arg6[%swap3A, %swap3A_30], %mul3A_29 {strides = array<i32>} : memref<2000x128xf32, #tpu.memory_space<vmem>>, vector<2000x128xf32>,
    return
  }
  func.func @transform_0(%arg0: i32) -> (i32, i32, i32) {
    %c0_i32 = arith.constant 0 : i32
    %c0_i32_0 = arith.constant 0 : i32
    %c0_i32_1 = arith.constant 0 : i32
    return %c0_i32, %arg0, %c0_i32_0 : i32, i32, i32
  }
  func.func @transform_1(%arg0: i32) -> (i32, i32) {
    %c0_i32 = arith.constant 0 : i32
    %c0_i32_0 = arith.constant 0 : i32
    return %arg0, %c0_i32 : i32, i32
  }
  func.func @transform_2(%arg0: i32) -> (i32, i32) {
    %c0_i32 = arith.constant 0 : i32
    %c0_i32_0 = arith.constant 0 : i32
    return %arg0, %c0_i32 : i32, i32
  }
  func.func @transform_3(%arg0: i32) -> (i32, i32) {
    %c0_i32 = arith.constant 0 : i32
    %c0_i32_0 = arith.constant 0 : i32
    %c0_i32_1 = arith.constant 0 : i32
    return %c0_i32, %c0_i32_0 : i32, i32
  }
  func.func @transform_4(%arg0: i32) -> (i32, i32) {
    %c0_i32 = arith.constant 0 : i32
    %c0_i32_0 = arith.constant 0 : i32
    %c0_i32_1 = arith.constant 0 : i32
    return %c0_i32, %c0_i32_0 : i32, i32
  }
  func.func @transform_5(%arg0: i32) -> (i32, i32) {
    %c0_i32 = arith.constant 0 : i32
    %c0_i32_0 = arith.constant 0 : i32
    return %arg0, %c0_i32 : i32, i32
  }
}

module attributes {stable_mosaic.version = 14 : i64} {
  func.func @_fin_body(%arg0: i32, %arg1: memref<2x2000x128xf32, #tpu.memory_space<vmem>>, %arg2: memref<2000x128xf32, #tpu.memory_space<vmem>>, %arg3: memref<2000x1xf32, #tpu.memory_space<vmem>>, %arg4: memref<1x128xf32, #tpu.memory_space<vmem>>, %arg5: memref<2000x128xf32, #tpu.memory_space<vmem>>, %arg6: memref<2000x128xf32, #tpu.memory_space<vmem>>) attributes {dimension_semantics = [#tpu.dimension_semantics<arbitrary>], iteration_bounds = array<i64: 5>, scalar_prefetch = 0 : i64, scratch_operands = 0 : i64, tpu.core_type = #tpu.core_type<tc>, window_params = [{transform_indices = @transform_0, window_bounds = array<i64: 2, 2000, 128>}, {transform_indices = @transform_1, window_bounds = array<i64: 2000, 128>}, {transform_indices = @transform_2, window_bounds = array<i64: 2000, 1>}, {pipeline_mode = #tpu.pipeline_mode<synchronous>, transform_indices = @transform_3, window_bounds = array<i64: 1, 128>}, {transform_indices = @transform_4, window_bounds = array<i64: 2000, 128>}, {transform_indices = @transform_5, window_bounds = array<i64: 2000, 128>}]} {
    %get3A = arith.constant 0 : index
    %get3A_0 = arith.constant 0 : index
    %get3A_1 = vector.load %arg3[%get3A, %get3A_0] : memref<2000x1xf32, #tpu.memory_space<vmem>>, vector<2000x1xf32>
    %get3A_2 = arith.constant 0 : index
    %get3A_3 = arith.constant 0 : index
    %get3A_4 = arith.constant 0 : index
    %get3A_5 = vector.load %arg1[%get3A_2, %get3A_3, %get3A_4] : memref<2x2000x128xf32, #tpu.memory_space<vmem>>, vector<1x2000x128xf32>
    %get3A_6 = vector.shape_cast %get3A_5 : vector<1x2000x128xf32> to vector<2000x128xf32>
    %get3A_7 = arith.constant 1 : index
    %get3A_8 = arith.constant 0 : index
    %get3A_9 = arith.constant 0 : index
    %get3A_10 = vector.load %arg1[%get3A_7, %get3A_8, %get3A_9] : memref<2x2000x128xf32, #tpu.memory_space<vmem>>, vector<1x2000x128xf32>
    %get3A_11 = vector.shape_cast %get3A_10 : vector<1x2000x128xf32> to vector<2000x128xf32>
    %add3A = arith.addf %get3A_6, %get3A_11 : vector<2000x128xf32>
    %get3A_12 = arith.constant 0 : index
    %get3A_13 = arith.constant 0 : index
    %get3A_14 = vector.load %arg2[%get3A_12, %get3A_13] : memref<2000x128xf32, #tpu.memory_space<vmem>>, vector<2000x128xf32>
    %add3A_15 = arith.addf %add3A, %get3A_14 : vector<2000x128xf32>
    %mul3A = vector.broadcast %get3A_1 : vector<2000x1xf32> to vector<2000x128xf32>
    %mul3A_16 = arith.mulf %mul3A, %add3A_15 : vector<2000x128xf32>
    %get3A_17 = arith.constant 0 : index
    %get3A_18 = arith.constant 0 : index
    %get3A_19 = vector.load %arg4[%get3A_17, %get3A_18] : memref<1x128xf32, #tpu.memory_space<vmem>>, vector<1x128xf32>
    %add3A_20 = vector.broadcast %get3A_19 : vector<1x128xf32> to vector<2000x128xf32>
    %add3A_21 = arith.addf %mul3A_16, %add3A_20 : vector<2000x128xf32>
    %get3A_22 = arith.constant 0 : index
    %get3A_23 = arith.constant 0 : index
    %get3A_24 = vector.load %arg5[%get3A_22, %get3A_23] : memref<2000x128xf32, #tpu.memory_space<vmem>>, vector<2000x128xf32>
    %add3A_25 = arith.addf %add3A_21, %get3A_24 : vector<2000x128xf32>
    %max3A = arith.constant 0.000000e+00 : f32
    %max3A_26 = vector.broadcast %max3A : f32 to vector<2000x128xf32>
    %max3A_27 = arith.maximumf %add3A_25, %max3A_26 : vector<2000x128xf32>
    %swap3A = arith.constant 0 : index
    %swap3A_28 = arith.constant 0 : index
    %swap3A_29 = vector.load %arg6[%swap3A, %swap3A_28] : memref<2000x128xf32, #tpu.memory_space<vmem>>, vector<2000x128xf32>
    tpu.vector_store %arg6[%swap3A, %swap3A_28], %max3A_27 {strides = array<i32>} : memref<2000x128xf32, #tpu.memory_space<vmem>>, vector<2000x128xf32>,
    return
  }
  func.func @transform_0(%arg0: i32) -> (i32, i32, i32) {
    %c0_i32 = arith.constant 0 : i32
    %c0_i32_0 = arith.constant 0 : i32
    %c0_i32_1 = arith.constant 0 : i32
    return %c0_i32, %arg0, %c0_i32_0 : i32, i32, i32
  }
  func.func @transform_1(%arg0: i32) -> (i32, i32) {
    %c0_i32 = arith.constant 0 : i32
    %c0_i32_0 = arith.constant 0 : i32
    return %arg0, %c0_i32 : i32, i32
  }
  func.func @transform_2(%arg0: i32) -> (i32, i32) {
    %c0_i32 = arith.constant 0 : i32
    %c0_i32_0 = arith.constant 0 : i32
    return %arg0, %c0_i32 : i32, i32
  }
  func.func @transform_3(%arg0: i32) -> (i32, i32) {
    %c0_i32 = arith.constant 0 : i32
    %c0_i32_0 = arith.constant 0 : i32
    %c0_i32_1 = arith.constant 0 : i32
    return %c0_i32, %c0_i32_0 : i32, i32
  }
  func.func @transform_4(%arg0: i32) -> (i32, i32) {
    %c0_i32 = arith.constant 0 : i32
    %c0_i32_0 = arith.constant 0 : i32
    return %arg0, %c0_i32 : i32, i32
  }
  func.func @transform_5(%arg0: i32) -> (i32, i32) {
    %c0_i32 = arith.constant 0 : i32
    %c0_i32_0 = arith.constant 0 : i32
    return %arg0, %c0_i32 : i32, i32
  }
}

</mosaic_0001>

<sc_bundles>
// kernel: kernel.11.cloned.1.call-start
scs
__scs_entry_jumppad:
0x0: {  	(pc) =	sbr.rel $0x88, $3  }
0x1: {  	(tag) =	ssettag $0x0;
	lr =	simm.s32 $0x1  }
0x2: {  	[smem:$0x3F9B] =	sst lr;
	_ =	strace $0xD0000000  }
0x3: {  	_ = 	snop  }
0x4: {  	_ = 	snop  }
0x5: {  	_ = 	snop  }
0x6: {  	_ = 	snop  }
0x7: {  	_ = 	snop  }
__scs_overlays_trampoline_lowered:
0x8: {  	[smem:$0x3FAA] =	sst s0  }
0x9: {  	[smem:$0x3FAB] =	sst s1  }
0xa: {  	[smem:$0x3FAC] =	sst s2  }
0xb: {  	[smem:$0x3FAD] =	sst s3  }
0xc: {  	[smem:$0x3FAE] =	sst s4  }
0xd: {  	[smem:$0x3FAF] =	sst s5  }
0xe: {  	[smem:$0x3FB0] =	sst s6  }
0xf: {  	[smem:$0x3FB1] =	sst s7  }
0x10: {  	[smem:$0x3FB2] =	sst s8  }
0x11: {  	[smem:$0x3FB3] =	sst s9;
	s0 =	simm.s32 @!p0 $0x0  }
0x12: {  	s1 =	sld [smem:$0x3F99];
	s0 =	simm.s32 @p0 $0x1  }
0x13: {  	[smem:$0x3FB4] =	sst s0;
	s0 =	simm.s32 @!p1 $0x0  }
0x14: {  	s2 =	sld [smem:$0x3F98];
	s0 =	simm.s32 @p1 $0x1  }
0x15: {  	[smem:$0x3FB5] =	sst s0;
	s0 =	simm.s32 @!p2 $0x0  }
0x16: {  	s3 =	sld [smem:$0x3FDB];
	s0 =	simm.s32 @p2 $0x1  }
0x17: {  	s4 =	simm.s32 $0x1BF5;
	[smem:$0x3FB7] =	sst s0  }
0x18: {  	s0 =	sld [smem:$0x3F9A];
	_ =	swait.ge [sflag:s4], $0x0  }
0x19: {  	s7 =	sld [smem:$0x3F9B]  }
0x1a: {  	s8 =	sadd.s32 $0xFFFFE003, lr  }
0x1b: {  	s9 =	sadd.s32 $0xFFFFFEF7, lr;
	s5 =	simm.s32 $0xFFFFFFFF;
	p2 =	slt.u32 s8, $0xFFFFF086  }
0x1c: {  	p1 =	slt.u32 s9, $0xF7A;
	s5 =	simm.s32 @!p2 $0x0  }
0x1d: {  	s5 =	simm.s32 @p1 $0x1;
	p0 =	seq.s32 s7, s2  }
0x1e: {  	s7 =	smul.u32 @!p0 $0xF7A, s2;
	p2 =	seq.s32 @!p0 s5, $0x0  }
0x1f: {  	s9 =	smul.u32 $0xF7A, s1;
	s8 =	simm.s32 @!p0 $0x1BF5;
	p2 =	por !p2, p0  }
0x20: {  	[sflag:s8] =	ssyncset.s32 @!p0 $0xFFFFF086;
	s6 =	sadd.s32 @!p0 s3, s7;
	s7 =	simm.s32 @!p0 $0x108  }
0x21: {  	s3 =	sadd.s32 s3, s9;
	s6 =	sadd.s32 @!p0 $0x88, s6;
	s7 =	simm.s32 @p2 $0x1082  }
0x22: {  	[simem:s7], [sflag:s8] =	dma.local @!p0 [hbm:s6], $0xF7A  }
0x23: {  	s9 =	sor.u32 $0xD0000000, s2;
	s6 =	simm.s32 $0x108;
	_ =	swait.ge @!p0 [sflag:s8], $0x0  }
0x24: {  	s3 =	sadd.s32 $0x88, s3;
	s6 =	simm.s32 @!p1 $0x1082;
	[sflag:s4] =	ssyncset.s32 $0xFFFFF086  }
0x25: {  	[simem:s6], [sflag:s4] =	dma.local [hbm:s3], $0xF7A  }
0x26: {  	[smem:$0x3F9B] =	sst s1;
	(tag) =	ssettag s2;
	_ =	strace s9  }
0x27: {  	s1 =	sld [smem:$0x3FAB]  }
0x28: {  	s2 =	sld [smem:$0x3FAC]  }
0x29: {  	s4 =	sld [smem:$0x3FAE]  }
0x2a: {  	p0 =	seq.s32 s5, $0x0;
	s5 =	sld [smem:$0x3FAF]  }
0x2b: {  	s6 =	sld [smem:$0x3FB0]  }
0x2c: {  	s7 =	sld [smem:$0x3FB1]  }
0x2d: {  	s3 =	simm.s32 $0x108;
	s8 =	sld [smem:$0x3FB2]  }
0x2e: {  	s3 =	simm.s32 @!p0 $0x1082;
	s9 =	sld [smem:$0x3FB3]  }
0x2f: {  	lr =	sadd.s32 s0, s3;
	s0 =	sld [smem:$0x3FAA]  }
0x30: {  	s3 =	sld [smem:$0x3FAD]  }
0x31: {  	[smem:$0x3FB6] =	sst s10  }
0x32: {  	s10 =	sld [smem:$0x3FB4];
	_ =	sdelay $0x3  }
0x33: {  	p0 =	seq.s32 s10, $0x1;
	s10 =	sld [smem:$0x3FB6];
	_ =	sdelay $0x3  }
0x34: {  	[smem:$0x3FB6] =	sst s10  }
0x35: {  	s10 =	sld [smem:$0x3FB5];
	_ =	sdelay $0x3  }
0x36: {  	p1 =	seq.s32 s10, $0x1;
	s10 =	sld [smem:$0x3FB6];
	_ =	sdelay $0x3  }
0x37: {  	[smem:$0x3FB6] =	sst s10  }
0x38: {  	s10 =	sld [smem:$0x3FB7]  }
0x39: {  	_ = 	snop;
	(pc) =	sbr.ind lr, $3  }
0x3a: {  	_ = 	snop  }
0x3b: {  	_ = 	snop  }
0x3c: {  	p2 =	seq.s32 s10, $0x1;
	s10 =	sld [smem:$0x3FB6]  }
0x3d: {  	_ =	shalt  }
0x3e: {  	_ =	shalt  }
0x3f: {  	_ =	shalt  }
0x40: {  	_ =	shalt  }
0x41: {  	_ =	shalt  }
0x42: {  	_ =	shalt  }
0x43: {  	_ =	shalt  }
0x44: {  	_ =	shalt  }
0x45: {  	_ =	shalt  }
0x46: {  	_ =	shalt  }
0x47: {  	_ =	shalt  }
0x48: {  	_ =	shalt  }
0x49: {  	_ =	shalt  }
0x4a: {  	_ =	shalt  }
0x4b: {  	_ =	shalt  }
0x4c: {  	_ =	shalt  }
0x4d: {  	_ =	shalt  }
0x4e: {  	_ =	shalt  }
0x4f: {  	_ =	shalt  }
0x50: {  	_ =	shalt  }
0x51: {  	_ =	shalt  }
0x52: {  	_ =	shalt  }
0x53: {  	_ =	shalt  }
0x54: {  	_ =	shalt  }
0x55: {  	_ =	shalt  }
0x56: {  	_ =	shalt  }
0x57: {  	_ =	shalt  }
0x58: {  	_ =	shalt  }
0x59: {  	_ =	shalt  }
0x5a: {  	_ =	shalt  }
0x5b: {  	_ =	shalt  }
0x5c: {  	_ =	shalt  }
0x5d: {  	_ =	shalt  }
0x5e: {  	_ =	shalt  }
0x5f: {  	_ =	shalt  }
0x60: {  	_ =	shalt  }
0x61: {  	_ =	shalt  }
0x62: {  	_ =	shalt  }
0x63: {  	_ =	shalt  }
0x64: {  	_ =	shalt  }
0x65: {  	_ =	shalt  }
0x66: {  	_ =	shalt  }
0x67: {  	_ =	shalt  }
0x68: {  	_ =	shalt  }
0x69: {  	_ =	shalt  }
0x6a: {  	_ =	shalt  }
0x6b: {  	_ =	shalt  }
0x6c: {  	_ =	shalt  }
0x6d: {  	_ =	shalt  }
0x6e: {  	_ =	shalt  }
0x6f: {  	_ =	shalt  }
0x70: {  	_ =	shalt  }
0x71: {  	_ =	shalt  }
0x72: {  	_ =	shalt  }
0x73: {  	_ =	shalt  }
0x74: {  	_ =	shalt  }
0x75: {  	_ =	shalt  }
0x76: {  	_ =	shalt  }
0x77: {  	_ =	shalt  }
0x78: {  	_ =	shalt  }
0x79: {  	_ =	shalt  }
0x7a: {  	_ =	shalt  }
0x7b: {  	_ =	shalt  }
0x7c: {  	_ =	shalt  }
0x7d: {  	_ =	shalt  }
0x7e: {  	_ =	shalt  }
0x7f: {  	_ =	shalt  }
0x80: {  	_ =	shalt  }
0x81: {  	_ =	shalt  }
0x82: {  	_ =	shalt  }
0x83: {  	_ =	shalt  }
0x84: {  	_ =	shalt  }
0x85: {  	_ =	shalt  }
0x86: {  	_ =	shalt  }
0x87: {  	_ =	shalt  }
.Lfunc_end0:
.L_simem_size_0:
called_computation.1_lowered:
.L_overlay_start_0:
0x88: {  	s2 =	sld [smem:$0x3FD9]  }
0x89: {  	s3 =	sld [smem:$0x3FFE];
	_ =	sdelay $0x1  }
0x8a: {  	s1 =	srdreg.scid  }
0x8b: {  	s0 =	sand.u32 $0x1, s1  }
0x8c: {  	s17 =	sshll.u32 s0, $0xA;
	s2 =	sadd.s32 s3, s2  }
0x8d: {  	s2 =	sadd.s32 s2, s17  }
0x8e: {  	[smem:$0x3FC2] =	sst s2  }
0x8f: {  	_ = 	snop  }
0x90: {  	s2 =	sld [smem:$0x3FD0];
	(tm) =	ssettm $0x1  }
0x91: {  	s18 =	sld [smem:$0x3FFB];
	_ =	sdelay $0x3  }
0x92: {  	_ =	strace s18  }
0x93: {  	s3 =	sld [smem:$0x3FFC];
	_ =	sdelay $0x3  }
0x94: {  	_ =	strace s3  }
0x95: {  	s3 =	sld [smem:$0x3FFD];
	_ =	sdelay $0x3  }
0x96: {  	_ =	strace s3  }
0x97: {  	_ =	strace $0x8FFFFFFF  }
0x98: {  	s19 =	sld [smem:$0x3FDB];
	_ =	sdelay $0x1  }
0x99: {  	s4 =	simm.s32 $_scs_section_size  }
0x9a: {  	s5 =	simm.s32 $_size__tile_overlayer_lowered;
	s6 =	simm.s32 $_tile_overlayer_lowered  }
0x9b: {  	s22 =	simm.s32 $0x1BFF;
	s21 =	sshll.u32 s6, $0x1;
	s3 =	sadd.s32 s4, s19  }
0x9c: {  	s7 =	simm.s32 $0x0;
	s20 =	sshll.u32 s5, $0x1;
	s5 =	sadd.s32 s21, s3  }
0x9d: {  	[timem:s7], [sflag:s22] =	dma.local [hbm:s5], s20  }
0x9e: {  	_ =	swait.ge [sflag:s22], s20  }
0x9f: {  	s4 =	ssub.s32 $0x0, s20;
	[sflag:s22] =	ssyncset.done $0x0  }
0xa0: {  	[sflag:s22] =	ssyncadd.s32 s4;
	_ =	sdelay $0x1  }
0xa1: {  	s23 =	simm.s32 $0x1B8B  }
0xa2: {  	_ =	swait.ge [sflag:s23], $0x1  }
0xa3: {  	[sflag:s23] =	ssyncset.done $0x0  }
0xa4: {  	s25 =	simm.s32 $0x1B8E;
	s24 =	sld [smem:$0x3FFE];
	[sflag:s23] =	ssyncadd.s32 $0xFFFFFFFF  }
0xa5: {  	s26 =	simm.s32 $execute0_lowered;
	[smem:$0x3FD2] =	sst s25  }
0xa6: {  	s5 =	sshll.u32 s26, $0x1;
	_ =	strace $0x80000049;
	[dreg:$0x1] =	wrdreg $0xFFFFFFFF  }
0xa7: {  	s28 =	simm.s32 $_size_execute0_lowered;
	s3 =	sadd.s32 s3, s5;
	[dreg:$0x0] =	wrdreg $0x0  }
0xa8: {  	s5 =	sshll.u32 s28, $0x1;
	[dreg:$0x2] =	wrdreg s3  }
0xa9: {  	[dreg:$0x3] =	wrdreg s5  }
0xaa: {  	[dreg:$0x4] =	wrdreg $0xC0  }
0xab: {  	_ =	task [dreg:s7], $0x5FFFF  }
0xac: {  	[dreg:$0x1] =	wrdreg $0xFFFFFFFF  }
0xad: {  	[dreg:$0x0] =	wrdreg $0x60  }
0xae: {  	[dreg:$0x2] =	wrdreg s2  }
0xaf: {  	[dreg:$0x3] =	wrdreg s24  }
0xb0: {  	[dreg:$0x4] =	wrdreg $0x67800  }
0xb1: {  	[dreg:$0x5] =	wrdreg $0x9  }
0xb2: {  	_ =	task.clear_ibuf [dreg:s7], $0x6FFFF;
	_ =	strace $0x90000049  }
0xb3: {  	s29 =	simm.s32 $0x9;
	_ =	strace $0x8000004B  }
0xb4: {  	_ =	swait.ge [sflag:s29], $0x1  }
0xb5: {  	[sflag:s29] =	ssyncadd.s32 $0xFFFFFFFF  }
0xb6: {  	_ =	strace $0x9000004B  }
0xb7: {  	_ =	sfence  }
0xb8: {  	s30 =	sld [smem:$0x0];
	_ =	sdelay $0x2  }
0xb9: {  	s31 =	sshll.u32 s1, $0xD;
	s1 =	sshrl.u32 s1, $0x2  }
0xba: {  	s3 =	sand.u32 $0x4000, s31;
	s1 =	sadd.s32 s1, s30  }
0xbb: {  	s0 =	sor.u32 s3, s0;
	s1 =	sshll.u32 s1, $0x11  }
0xbc: {  	s0 =	sor.u32 s1, s0  }
0xbd: {  	s0 =	sadd.s32 $0x8F2B, s0  }
0xbe: {  	[sflag:s0] =	ssyncadd.remote.s32 $0x1  }
0xbf: {  	_ =	sfence.sel $0xFFFF  }
0xc0: {  	[dreg:$0x0] =	wrdreg $0xFFFFFFFF;
	(pc) =	sbr.abs _section_cstart, $3  }
0xc1: {  	[dreg:$0x1] =	wrdreg $0xFFFFFFFF  }
0xc2: {  	_ =	task.clear_ibuf [dreg:s7], $0x2FFFF;
	_ =	strace $0x9FFFFFFF  }
0xc3: {  	(tm) =	ssettm $0x7FFFFFFF  }
tec
execute0_lowered:
.L_overlay_start_1:
0x0: {  	(tag) =	ssettag $0x1  }
0x1: {  	s1 =	rddreg [dreg:$0x0]  }
0x2: {  	s0 =	srdreg.scid;
	s6 =	rddreg [dreg:$0x1]  }
0x3: {  	s15 =	simm.s32 $0x2780;
	s18 =	simm.s32 $0x50;
	s19 =	simm.s32 $0x1A380  }
0x4: {  	s20 =	simm.s32 $0x1;
	s21 =	simm.s32 $0x1CB80;
	s22 =	simm.s32 $0x2  }
0x5: {  	s28 =	simm.s32 $0x6580;
	s2 =	sand.u32 $0x1, s0;
	s0 =	stileid.u32  }
0x6: {  	s29 =	simm.s32 $0x0;
	s13 =	sadd.s32 $0x39600, s6;
	s23 =	smul.u32 $0x13C00, s0  }
0x7: {  	s3 =	sshll.u32 s2, $0x4;
	s8 =	sshll.u32 s0, $0x7;
	s11 =	smul.u32 $0x4F000, s0  }
0x8: {  	s10 =	ssub.s32 $0x2, s2;
	s2 =	smul.u32 $0x138800, s2;
	s31 =	sshll.u32 s0, $0x6  }
0x9: {  	p0 =	seq.s32 s0, $0xF;
	s5 =	sor.u32 s0, s3;
	s3 =	rddreg [dreg:$0x2]  }
0xa: {  	s8 =	sand.u32 $0x380, s8;
	s25 =	sshrl.u32 s10, $0x1;
	s16 =	sor.u32 $0x1C05, s31  }
0xb: {  	s4 =	sshrl.u32 s5, $0x3;
	s5 =	sshll.u32 s5, $0xB;
	s24 =	sshrl.u32 s23, $0x3  }
0xc: {  	s14 =	ssub.s32 s10, s25;
	s26 =	sshrl.u32 s11, $0x2;
	s25 =	simm.s32 $0x2800  }
0xd: {  	s7 =	smul.u32 $0x13C00, s4;
	s4 =	simm.s32 $0x0;
	s9 =	sadd.s32 s5, s6  }
0xe: {  	s12 =	sadd.s32 s24, s6;
	s11 =	smax.u32 s14, $0x1;
	s14 =	simm.s32 $0x5  }
0xf: {  	s24 =	simm.s32 $0xA0;
	[smem:$0x7FF] =	sst s4;
	s7 =	sor.u32 s8, s7  }
0x10: {  	_ =	strace $0x8000004A;
	s8 =	sadd.s32 s23, s2;
	s2 =	sshrl.u32 s2, $0x3  }
0x11: {  	s23 =	simm.s32 $0x3;
	s7 =	sshrl.u32 s7, $0x3;
	s30 =	sshrl.u32 s8, $0x3  }
0x12: {  	s8 =	sadd.s32 $0x11E00, s12;
	s2 =	sadd.s32 s13, s2;
	s12 =	simm.s32 $0x80  }
0x13: {  	s7 =	sadd.s32 s7, s6;
	s6 =	sadd.s32 $0x1E00, s9;
	s9 =	sadd.s32 s13, s30  }
0x14: {  	s10 =	sadd.s32 $0x25080, s2;
	s5 =	sadd.s32 $0x87800, s7;
	s7 =	sadd.s32 s26, s3  }
0x15: {  	s13 =	simm.s32 $0x400;
	s26 =	simm.s32 $0x4;
	s17 =	sshrl.u32 s7, $0x3  }
.LBB2_1:
0x16: {  	[tilespmem:s4], [sflag:$0x5] =	stream.strided.gather [hbm4b:s5+s12], $0x2780, s13, s12, $0x38;
	[tilespmem:$0x1F380] =	vst v63  }
0x17: {  	_ =	swait.ge [sflag:s14], $0x2780  }
0x18: {  	[sflag:s14] =	ssyncset.done $0x0  }
0x19: {  	[sflag:s14] =	ssyncadd.s32 $0xFFFFD880  }
0x1a: {  	[tilespmem:s15], [sflag:$0x5] =	stream.linear.gather [hbm4b:s6+s4], $0x3E80, $0x38;
	[tilespmem:$0x1F380] =	vst v63  }
0x1b: {  	_ =	swait.ge [sflag:s14], $0x3E80  }
0x1c: {  	[sflag:s14] =	ssyncset.done $0x0  }
0x1d: {  	[sflag:s14] =	ssyncadd.s32 $0xFFFFC180  }
0x1e: {  	[spmem:s17], [sflag:s16] =	dma.local [hbm:s8], $0x2780  }
0x1f: {  	_ =	swait.ge [sflag:s14], $0x2780  }
0x20: {  	[sflag:s14] =	ssyncset.done $0x0  }
0x21: {  	[sflag:s14] =	ssyncadd.s32 $0xFFFFD880  }
0x22: {  	[bflag:$0x0] =	sbarrier.arrive $0xFFFF  }
0x23: {  	[tilespmem:s19], [sflag:$0x1] =	stream.indirect.gather [hbm4b:s1+s18], $0x80, s4, s18, $0xb8;
	[tilespmem:$0x1F380] =	vst v63  }
0x24: {  	_ =	swait.ge [sflag:s20], $0x2800  }
0x25: {  	[sflag:s20] =	ssyncset.done $0x0  }
0x26: {  	[sflag:s20] =	ssyncadd.s32 $0xFFFFD800  }
0x27: {  	[tilespmem:s21], [sflag:$0x2] =	stream.indirect.gather [hbm4b:s1+s18], $0x80, s18, s18, $0xb8;
	[tilespmem:$0x1F380] =	vst v63  }
0x28: {  	_ = 	snop  }
0x29: {  	[spmem:s3] =	stream.indirect.scatter.add.f32 [tilespmem:s19], [sflag:$0x3], $0x80, s15, s18, $0xb8;
	[tilespmem:$0x1F380] =	vst v63  }
0x2a: {  	_ =	swait.ge [sflag:s22], $0x2800  }
0x2b: {  	[sflag:s22] =	ssyncset.done $0x0  }
0x2c: {  	[sflag:s22] =	ssyncadd.s32 $0xFFFFD800  }
0x2d: {  	_ =	swait.ge [sflag:s23], $0x2800  }
0x2e: {  	[sflag:s23] =	ssyncset.done $0x0  }
0x2f: {  	[sflag:s23] =	ssyncadd.s32 $0xFFFFD800  }
0x30: {  	[tilespmem:s19], [sflag:$0x1] =	stream.indirect.gather [hbm4b:s1+s18], $0x80, s24, s18, $0xb8;
	[tilespmem:$0x1F380] =	vst v63  }
0x31: {  	_ = 	snop  }
0x32: {  	[spmem:s3] =	stream.indirect.scatter.add.f32 [tilespmem:s21], [sflag:$0x4], $0x80, s25, s18, $0xb8;
	[tilespmem:$0x1F380] =	vst v63  }
0x33: {  	_ =	swait.ge [sflag:s20], $0x2800  }
0x34: {  	[sflag:s20] =	ssyncset.done $0x0  }
0x35: {  	[sflag:s20] =	ssyncadd.s32 $0xFFFFD800  }
0x36: {  	_ =	swait.ge [sflag:s26], $0x2800  }
0x37: {  	[sflag:s26] =	ssyncset.done $0x0  }
0x38: {  	s2 =	simm.s32 $0xF0;
	[sflag:s26] =	ssyncadd.s32 $0xFFFFD800  }
0x39: {  	[tilespmem:s21], [sflag:$0x2] =	stream.indirect.gather [hbm4b:s1+s18], $0x80, s2, s18, $0xb8;
	[tilespmem:$0x1F380] =	vst v63  }
0x3a: {  	s0 =	simm.s32 $0x2880  }
0x3b: {  	[spmem:s3] =	stream.indirect.scatter.add.f32 [tilespmem:s19], [sflag:$0x3], $0x80, s0, s18, $0xb8;
	[tilespmem:$0x1F380] =	vst v63  }
0x3c: {  	_ =	swait.ge [sflag:s22], $0x2800  }
0x3d: {  	[sflag:s22] =	ssyncset.done $0x0  }
0x3e: {  	[sflag:s22] =	ssyncadd.s32 $0xFFFFD800  }
0x3f: {  	_ =	swait.ge [sflag:s23], $0x2800  }
0x40: {  	s30 =	simm.s32 $0xFFFF1000;
	s31 =	simm.s32 $0x190;
	[sflag:s23] =	ssyncset.done $0x0  }
0x41: {  	s2 =	simm.s32 $0x2900;
	s0 =	simm.s32 $0x140;
	[sflag:s23] =	ssyncadd.s32 $0xFFFFD800  }
0x42: {  	[tilespmem:s19], [sflag:$0x1] =	stream.indirect.gather [hbm4b:s1+s18], $0x80, s0, s18, $0xb8;
	[tilespmem:$0x1F380] =	vst v63  }
.LBB2_2:
0x43: {  	[spmem:s3] =	stream.indirect.scatter.add.f32 [tilespmem:s21], [sflag:$0x4], $0x80, s2, s18, $0xb8;
	[tilespmem:$0x1F380] =	vst v63  }
0x44: {  	s2 =	smov.u32 s30  }
0x45: {  	p1 =	sne.s32 s30, $0xFFFFFC00;
	s30 =	sadd.s32 $0x400, s30;
	_ =	swait.ge [sflag:s20], $0x2800  }
0x46: {  	[sflag:s20] =	ssyncset.done $0x0  }
0x47: {  	[sflag:s20] =	ssyncadd.s32 $0xFFFFD800  }
0x48: {  	_ =	swait.ge [sflag:s26], $0x2800  }
0x49: {  	[sflag:s26] =	ssyncset.done $0x0  }
0x4a: {  	s2 =	sshra.s32 s2, $0x2;
	[sflag:s26] =	ssyncadd.s32 $0xFFFFD800  }
0x4b: {  	[tilespmem:s21], [sflag:$0x2] =	stream.indirect.gather [hbm4b:s1+s18], $0x80, s31, s18, $0xb8;
	[tilespmem:$0x1F380] =	vst v63  }
0x4c: {  	s0 =	sadd.s32 $0x6580, s2  }
0x4d: {  	[spmem:s3] =	stream.indirect.scatter.add.f32 [tilespmem:s19], [sflag:$0x3], $0x80, s0, s18, $0xb8;
	[tilespmem:$0x1F380] =	vst v63  }
0x4e: {  	_ =	swait.ge [sflag:s22], $0x2800  }
0x4f: {  	[sflag:s22] =	ssyncset.done $0x0  }
0x50: {  	[sflag:s22] =	ssyncadd.s32 $0xFFFFD800  }
.Ltmp0:
0x51: {  	_ =	swait.ge [sflag:s23], $0x2800;
	(pc) =	sbr.rel @p1 .LBB2_2-.Ltmp0, $4  }
0x52: {  	[sflag:s23] =	ssyncset.done $0x0  }
0x53: {  	s0 =	sadd.s32 $0x50, s31;
	[sflag:s23] =	ssyncadd.s32 $0xFFFFD800  }
0x54: {  	[tilespmem:s19], [sflag:$0x1] =	stream.indirect.gather [hbm4b:s1+s18], $0x80, s0, s18, $0xb8;
	[tilespmem:$0x1F380] =	vst v63  }
0x55: {  	s2 =	sadd.s32 $0x6600, s2;
	s31 =	sadd.s32 $0xA0, s31  }
0x56: {  	[spmem:s3] =	stream.indirect.scatter.add.f32 [tilespmem:s21], [sflag:$0x4], $0x80, s2, s18, $0xb8;
	[tilespmem:$0x1F380] =	vst v63  }
0x57: {  	_ =	swait.ge [sflag:s20], $0x2800  }
0x58: {  	[sflag:s20] =	ssyncset.done $0x0  }
0x59: {  	[sflag:s20] =	ssyncadd.s32 $0xFFFFD800  }
0x5a: {  	_ =	swait.ge [sflag:s26], $0x2800  }
0x5b: {  	[sflag:s26] =	ssyncset.done $0x0  }
0x5c: {  	[sflag:s26] =	ssyncadd.s32 $0xFFFFD800  }
0x5d: {  	[spmem:s3] =	stream.indirect.scatter.add.f32 [tilespmem:s19], [sflag:$0x3], $0x80, s28, s18, $0xb8;
	[tilespmem:$0x1F380] =	vst v63  }
0x5e: {  	_ =	swait.ge [sflag:s23], $0x2800  }
0x5f: {  	[sflag:s23] =	ssyncset.done $0x0  }
0x60: {  	[sflag:s23] =	ssyncadd.s32 $0xFFFFD800  }
0x61: {  	s0 =	sshrl.u32 @p0 s7, $0x3;
	[bflag:$0x0] =	sbarrier.arrive $0xFFFF  }
0x62: {  	[hbm:s10], [sflag:s16] =	dma.local @p0 [spmem:s0], $0x2080  }
0x63: {  	s0 =	simm.s32 @p0 $0x5  }
0x64: {  	_ =	swait.ge @p0 [sflag:s0], $0x2080  }
0x65: {  	s29 =	sadd.s32 $0x1, s29;
	[sflag:s0] =	ssyncset.done @p0 $0x0  }
0x66: {  	p1 =	sne.s32 s29, s11;
	[sflag:s0] =	ssyncadd.s32 @p0 $0xFFFFDF80;
	s0 =	sshrl.u32 @!p0 s7, $0x3  }
0x67: {  	[hbm:s9], [sflag:s16] =	dma.local @!p0 [spmem:s0], $0x2780  }
.Ltmp1:
0x68: {  	_ = 	snop;
	(pc) =	sbr.rel @p1 .LBB2_1-.Ltmp1, $4  }
0x69: {  	s0 =	simm.s32 @!p0 $0x5  }
0x6a: {  	_ =	swait.ge @!p0 [sflag:s0], $0x2780  }
0x6b: {  	[sflag:s0] =	ssyncset.done @!p0 $0x0  }
0x6c: {  	[sflag:s0] =	ssyncadd.s32 @!p0 $0xFFFFD880  }
0x6d: {  	_ =	sfence.sel $0x180000  }
0x6e: {  	[bflag:$0x0] =	sbarrier.arrive $0xFFFF  }
0x6f: {  	_ =	strace $0x9000004A  }
0x70: {  	s0 =	stileid.u32;
	[bflag:$0x2] =	sbarrier.arrive $0xFFFF  }
0x71: {  	p0 =	sne.s32 s0, $0x0;
	s0 =	rddreg [dreg:$0x3]  }
0x72: {  	s0 =	sadd.s32 @!p0 $0x100000, s0  }
0x73: {  	[sflag:s0] =	ssyncadd.tile.s32 @!p0 $0x1;
	_ =	shalt  }
.Lfunc_end2:
_tile_overlayer_lowered:
.L_overlay_start_2:
0x74: {  	(tag) =	ssettag $0x2  }
0x75: {  	s0 =	rddreg [dreg:$0x0];
	s2 =	stileid.u32  }
0x76: {  	s1 =	rddreg [dreg:$0x1];
	p0 =	sne.s32 s2, $0x0  }
0x77: {  	s3 =	rddreg [dreg:$0x2];
	[bflag:$0x3] =	sbarrier.arrive $0xFFFF;
	s2 =	simm.s32 @!p0 $0x1C05  }
0x78: {  	[timem:s3], [sflag:s2] =	dma.local @!p0 [hbm:s0], s1  }
0x79: {  	s0 =	simm.s32 @!p0 $0x5  }
0x7a: {  	_ =	swait.ge @!p0 [sflag:s0], s1  }
0x7b: {  	s1 =	ssub.s32 @!p0 $0x0, s1;
	[sflag:s0] =	ssyncset.done @!p0 $0x0  }
0x7c: {  	[sflag:s0] =	ssyncadd.s32 @!p0 s1  }
0x7d: {  	[bflag:$0x3] =	sbarrier.arrive $0xFFFF  }
0x7e: {  	_ =	shalt  }

// kernel: kernel.14.cloned.1.call-start
scs
__scs_entry_jumppad:
0x0: {  	(pc) =	sbr.rel $0x88, $3  }
0x1: {  	(tag) =	ssettag $0x0;
	lr =	simm.s32 $0x1  }
0x2: {  	[smem:$0x3F9B] =	sst lr;
	_ =	strace $0xD0000000  }
0x3: {  	_ = 	snop  }
0x4: {  	_ = 	snop  }
0x5: {  	_ = 	snop  }
0x6: {  	_ = 	snop  }
0x7: {  	_ = 	snop  }
__scs_overlays_trampoline_lowered:
0x8: {  	[smem:$0x3FAA] =	sst s0  }
0x9: {  	[smem:$0x3FAB] =	sst s1  }
0xa: {  	[smem:$0x3FAC] =	sst s2  }
0xb: {  	[smem:$0x3FAD] =	sst s3  }
0xc: {  	[smem:$0x3FAE] =	sst s4  }
0xd: {  	[smem:$0x3FAF] =	sst s5  }
0xe: {  	[smem:$0x3FB0] =	sst s6  }
0xf: {  	[smem:$0x3FB1] =	sst s7  }
0x10: {  	[smem:$0x3FB2] =	sst s8  }
0x11: {  	[smem:$0x3FB3] =	sst s9;
	s0 =	simm.s32 @!p0 $0x0  }
0x12: {  	s1 =	sld [smem:$0x3F99];
	s0 =	simm.s32 @p0 $0x1  }
0x13: {  	[smem:$0x3FB4] =	sst s0;
	s0 =	simm.s32 @!p1 $0x0  }
0x14: {  	s2 =	sld [smem:$0x3F98];
	s0 =	simm.s32 @p1 $0x1  }
0x15: {  	[smem:$0x3FB5] =	sst s0;
	s0 =	simm.s32 @!p2 $0x0  }
0x16: {  	s3 =	sld [smem:$0x3FDB];
	s0 =	simm.s32 @p2 $0x1  }
0x17: {  	s4 =	simm.s32 $0x1BF5;
	[smem:$0x3FB7] =	sst s0  }
0x18: {  	s0 =	sld [smem:$0x3F9A];
	_ =	swait.ge [sflag:s4], $0x0  }
0x19: {  	s7 =	sld [smem:$0x3F9B]  }
0x1a: {  	s8 =	sadd.s32 $0xFFFFE003, lr  }
0x1b: {  	s9 =	sadd.s32 $0xFFFFFEF7, lr;
	s5 =	simm.s32 $0xFFFFFFFF;
	p2 =	slt.u32 s8, $0xFFFFF086  }
0x1c: {  	p1 =	slt.u32 s9, $0xF7A;
	s5 =	simm.s32 @!p2 $0x0  }
0x1d: {  	s5 =	simm.s32 @p1 $0x1;
	p0 =	seq.s32 s7, s2  }
0x1e: {  	s7 =	smul.u32 @!p0 $0xF7A, s2;
	p2 =	seq.s32 @!p0 s5, $0x0  }
0x1f: {  	s9 =	smul.u32 $0xF7A, s1;
	s8 =	simm.s32 @!p0 $0x1BF5;
	p2 =	por !p2, p0  }
0x20: {  	[sflag:s8] =	ssyncset.s32 @!p0 $0xFFFFF086;
	s6 =	sadd.s32 @!p0 s3, s7;
	s7 =	simm.s32 @!p0 $0x108  }
0x21: {  	s3 =	sadd.s32 s3, s9;
	s6 =	sadd.s32 @!p0 $0x88, s6;
	s7 =	simm.s32 @p2 $0x1082  }
0x22: {  	[simem:s7], [sflag:s8] =	dma.local @!p0 [hbm:s6], $0xF7A  }
0x23: {  	s9 =	sor.u32 $0xD0000000, s2;
	s6 =	simm.s32 $0x108;
	_ =	swait.ge @!p0 [sflag:s8], $0x0  }
0x24: {  	s3 =	sadd.s32 $0x88, s3;
	s6 =	simm.s32 @!p1 $0x1082;
	[sflag:s4] =	ssyncset.s32 $0xFFFFF086  }
0x25: {  	[simem:s6], [sflag:s4] =	dma.local [hbm:s3], $0xF7A  }
0x26: {  	[smem:$0x3F9B] =	sst s1;
	(tag) =	ssettag s2;
	_ =	strace s9  }
0x27: {  	s1 =	sld [smem:$0x3FAB]  }
0x28: {  	s2 =	sld [smem:$0x3FAC]  }
0x29: {  	s4 =	sld [smem:$0x3FAE]  }
0x2a: {  	p0 =	seq.s32 s5, $0x0;
	s5 =	sld [smem:$0x3FAF]  }
0x2b: {  	s6 =	sld [smem:$0x3FB0]  }
0x2c: {  	s7 =	sld [smem:$0x3FB1]  }
0x2d: {  	s3 =	simm.s32 $0x108;
	s8 =	sld [smem:$0x3FB2]  }
0x2e: {  	s3 =	simm.s32 @!p0 $0x1082;
	s9 =	sld [smem:$0x3FB3]  }
0x2f: {  	lr =	sadd.s32 s0, s3;
	s0 =	sld [smem:$0x3FAA]  }
0x30: {  	s3 =	sld [smem:$0x3FAD]  }
0x31: {  	[smem:$0x3FB6] =	sst s10  }
0x32: {  	s10 =	sld [smem:$0x3FB4];
	_ =	sdelay $0x3  }
0x33: {  	p0 =	seq.s32 s10, $0x1;
	s10 =	sld [smem:$0x3FB6];
	_ =	sdelay $0x3  }
0x34: {  	[smem:$0x3FB6] =	sst s10  }
0x35: {  	s10 =	sld [smem:$0x3FB5];
	_ =	sdelay $0x3  }
0x36: {  	p1 =	seq.s32 s10, $0x1;
	s10 =	sld [smem:$0x3FB6];
	_ =	sdelay $0x3  }
0x37: {  	[smem:$0x3FB6] =	sst s10  }
0x38: {  	s10 =	sld [smem:$0x3FB7]  }
0x39: {  	_ = 	snop;
	(pc) =	sbr.ind lr, $3  }
0x3a: {  	_ = 	snop  }
0x3b: {  	_ = 	snop  }
0x3c: {  	p2 =	seq.s32 s10, $0x1;
	s10 =	sld [smem:$0x3FB6]  }
0x3d: {  	_ =	shalt  }
0x3e: {  	_ =	shalt  }
0x3f: {  	_ =	shalt  }
0x40: {  	_ =	shalt  }
0x41: {  	_ =	shalt  }
0x42: {  	_ =	shalt  }
0x43: {  	_ =	shalt  }
0x44: {  	_ =	shalt  }
0x45: {  	_ =	shalt  }
0x46: {  	_ =	shalt  }
0x47: {  	_ =	shalt  }
0x48: {  	_ =	shalt  }
0x49: {  	_ =	shalt  }
0x4a: {  	_ =	shalt  }
0x4b: {  	_ =	shalt  }
0x4c: {  	_ =	shalt  }
0x4d: {  	_ =	shalt  }
0x4e: {  	_ =	shalt  }
0x4f: {  	_ =	shalt  }
0x50: {  	_ =	shalt  }
0x51: {  	_ =	shalt  }
0x52: {  	_ =	shalt  }
0x53: {  	_ =	shalt  }
0x54: {  	_ =	shalt  }
0x55: {  	_ =	shalt  }
0x56: {  	_ =	shalt  }
0x57: {  	_ =	shalt  }
0x58: {  	_ =	shalt  }
0x59: {  	_ =	shalt  }
0x5a: {  	_ =	shalt  }
0x5b: {  	_ =	shalt  }
0x5c: {  	_ =	shalt  }
0x5d: {  	_ =	shalt  }
0x5e: {  	_ =	shalt  }
0x5f: {  	_ =	shalt  }
0x60: {  	_ =	shalt  }
0x61: {  	_ =	shalt  }
0x62: {  	_ =	shalt  }
0x63: {  	_ =	shalt  }
0x64: {  	_ =	shalt  }
0x65: {  	_ =	shalt  }
0x66: {  	_ =	shalt  }
0x67: {  	_ =	shalt  }
0x68: {  	_ =	shalt  }
0x69: {  	_ =	shalt  }
0x6a: {  	_ =	shalt  }
0x6b: {  	_ =	shalt  }
0x6c: {  	_ =	shalt  }
0x6d: {  	_ =	shalt  }
0x6e: {  	_ =	shalt  }
0x6f: {  	_ =	shalt  }
0x70: {  	_ =	shalt  }
0x71: {  	_ =	shalt  }
0x72: {  	_ =	shalt  }
0x73: {  	_ =	shalt  }
0x74: {  	_ =	shalt  }
0x75: {  	_ =	shalt  }
0x76: {  	_ =	shalt  }
0x77: {  	_ =	shalt  }
0x78: {  	_ =	shalt  }
0x79: {  	_ =	shalt  }
0x7a: {  	_ =	shalt  }
0x7b: {  	_ =	shalt  }
0x7c: {  	_ =	shalt  }
0x7d: {  	_ =	shalt  }
0x7e: {  	_ =	shalt  }
0x7f: {  	_ =	shalt  }
0x80: {  	_ =	shalt  }
0x81: {  	_ =	shalt  }
0x82: {  	_ =	shalt  }
0x83: {  	_ =	shalt  }
0x84: {  	_ =	shalt  }
0x85: {  	_ =	shalt  }
0x86: {  	_ =	shalt  }
0x87: {  	_ =	shalt  }
.Lfunc_end0:
.L_simem_size_0:
called_computation.2_lowered:
.L_overlay_start_0:
0x88: {  	s2 =	sld [smem:$0x3FD9]  }
0x89: {  	s3 =	sld [smem:$0x3FFE];
	_ =	sdelay $0x1  }
0x8a: {  	s1 =	srdreg.scid  }
0x8b: {  	s0 =	sand.u32 $0x1, s1  }
0x8c: {  	s17 =	sshll.u32 s0, $0xA;
	s2 =	sadd.s32 s3, s2  }
0x8d: {  	s2 =	sadd.s32 s2, s17  }
0x8e: {  	[smem:$0x3FC2] =	sst s2  }
0x8f: {  	_ = 	snop  }
0x90: {  	s2 =	sld [smem:$0x3FD0];
	(tm) =	ssettm $0x1  }
0x91: {  	s18 =	sld [smem:$0x3FFB];
	_ =	sdelay $0x3  }
0x92: {  	_ =	strace s18  }
0x93: {  	s3 =	sld [smem:$0x3FFC];
	_ =	sdelay $0x3  }
0x94: {  	_ =	strace s3  }
0x95: {  	s3 =	sld [smem:$0x3FFD];
	_ =	sdelay $0x3  }
0x96: {  	_ =	strace s3  }
0x97: {  	_ =	strace $0x8FFFFFFF  }
0x98: {  	s19 =	sld [smem:$0x3FDB];
	_ =	sdelay $0x1  }
0x99: {  	s4 =	simm.s32 $_scs_section_size  }
0x9a: {  	s5 =	simm.s32 $_size__tile_overlayer_lowered;
	s6 =	simm.s32 $_tile_overlayer_lowered  }
0x9b: {  	s22 =	simm.s32 $0x1BFF;
	s21 =	sshll.u32 s6, $0x1;
	s3 =	sadd.s32 s4, s19  }
0x9c: {  	s7 =	simm.s32 $0x0;
	s20 =	sshll.u32 s5, $0x1;
	s5 =	sadd.s32 s21, s3  }
0x9d: {  	[timem:s7], [sflag:s22] =	dma.local [hbm:s5], s20  }
0x9e: {  	_ =	swait.ge [sflag:s22], s20  }
0x9f: {  	s4 =	ssub.s32 $0x0, s20;
	[sflag:s22] =	ssyncset.done $0x0  }
0xa0: {  	[sflag:s22] =	ssyncadd.s32 s4;
	_ =	sdelay $0x1  }
0xa1: {  	s23 =	simm.s32 $0x1B8B  }
0xa2: {  	_ =	swait.ge [sflag:s23], $0x1  }
0xa3: {  	[sflag:s23] =	ssyncset.done $0x0  }
0xa4: {  	s25 =	simm.s32 $0x1B8E;
	s24 =	sld [smem:$0x3FFE];
	[sflag:s23] =	ssyncadd.s32 $0xFFFFFFFF  }
0xa5: {  	s26 =	simm.s32 $execute0_lowered;
	[smem:$0x3FD2] =	sst s25  }
0xa6: {  	s5 =	sshll.u32 s26, $0x1;
	_ =	strace $0x8000004C;
	[dreg:$0x1] =	wrdreg $0xFFFFFFFF  }
0xa7: {  	s28 =	simm.s32 $_size_execute0_lowered;
	s3 =	sadd.s32 s3, s5;
	[dreg:$0x0] =	wrdreg $0x0  }
0xa8: {  	s5 =	sshll.u32 s28, $0x1;
	[dreg:$0x2] =	wrdreg s3  }
0xa9: {  	[dreg:$0x3] =	wrdreg s5  }
0xaa: {  	[dreg:$0x4] =	wrdreg $0xC0  }
0xab: {  	_ =	task [dreg:s7], $0x5FFFF  }
0xac: {  	[dreg:$0x1] =	wrdreg $0xFFFFFFFF  }
0xad: {  	[dreg:$0x0] =	wrdreg $0x60  }
0xae: {  	[dreg:$0x2] =	wrdreg s2  }
0xaf: {  	[dreg:$0x3] =	wrdreg s24  }
0xb0: {  	[dreg:$0x4] =	wrdreg $0x67800  }
0xb1: {  	[dreg:$0x5] =	wrdreg $0x9  }
0xb2: {  	_ =	task.clear_ibuf [dreg:s7], $0x6FFFF;
	_ =	strace $0x9000004C  }
0xb3: {  	s29 =	simm.s32 $0x9;
	_ =	strace $0x8000004E  }
0xb4: {  	_ =	swait.ge [sflag:s29], $0x1  }
0xb5: {  	[sflag:s29] =	ssyncadd.s32 $0xFFFFFFFF  }
0xb6: {  	_ =	strace $0x9000004E  }
0xb7: {  	_ =	sfence  }
0xb8: {  	s30 =	sld [smem:$0x0];
	_ =	sdelay $0x2  }
0xb9: {  	s31 =	sshll.u32 s1, $0xD;
	s1 =	sshrl.u32 s1, $0x2  }
0xba: {  	s3 =	sand.u32 $0x4000, s31;
	s1 =	sadd.s32 s1, s30  }
0xbb: {  	s0 =	sor.u32 s3, s0;
	s1 =	sshll.u32 s1, $0x11  }
0xbc: {  	s0 =	sor.u32 s1, s0  }
0xbd: {  	s0 =	sadd.s32 $0x8F2B, s0  }
0xbe: {  	[sflag:s0] =	ssyncadd.remote.s32 $0x1  }
0xbf: {  	_ =	sfence.sel $0xFFFF  }
0xc0: {  	[dreg:$0x0] =	wrdreg $0xFFFFFFFF;
	(pc) =	sbr.abs _section_cstart, $3  }
0xc1: {  	[dreg:$0x1] =	wrdreg $0xFFFFFFFF  }
0xc2: {  	_ =	task.clear_ibuf [dreg:s7], $0x2FFFF;
	_ =	strace $0x9FFFFFFF  }
0xc3: {  	(tm) =	ssettm $0x7FFFFFFF  }
tec
execute0_lowered:
.L_overlay_start_1:
0x0: {  	(tag) =	ssettag $0x1  }
0x1: {  	s1 =	rddreg [dreg:$0x0]  }
0x2: {  	s0 =	srdreg.scid;
	s6 =	rddreg [dreg:$0x1]  }
0x3: {  	s15 =	simm.s32 $0x2780;
	s18 =	simm.s32 $0x50;
	s19 =	simm.s32 $0x1A380  }
0x4: {  	s20 =	simm.s32 $0x1;
	s21 =	simm.s32 $0x1CB80;
	s22 =	simm.s32 $0x2  }
0x5: {  	s28 =	simm.s32 $0x6580;
	s2 =	sand.u32 $0x1, s0;
	s0 =	stileid.u32  }
0x6: {  	s29 =	simm.s32 $0x0;
	s13 =	sadd.s32 $0x39600, s6;
	s23 =	smul.u32 $0x13C00, s0  }
0x7: {  	s3 =	sshll.u32 s2, $0x4;
	s8 =	sshll.u32 s0, $0x7;
	s11 =	smul.u32 $0x4F000, s0  }
0x8: {  	s10 =	ssub.s32 $0x2, s2;
	s2 =	smul.u32 $0x138800, s2;
	s31 =	sshll.u32 s0, $0x6  }
0x9: {  	p0 =	seq.s32 s0, $0xF;
	s5 =	sor.u32 s0, s3;
	s3 =	rddreg [dreg:$0x2]  }
0xa: {  	s8 =	sand.u32 $0x380, s8;
	s25 =	sshrl.u32 s10, $0x1;
	s16 =	sor.u32 $0x1C05, s31  }
0xb: {  	s4 =	sshrl.u32 s5, $0x3;
	s5 =	sshll.u32 s5, $0xB;
	s24 =	sshrl.u32 s23, $0x3  }
0xc: {  	s14 =	ssub.s32 s10, s25;
	s26 =	sshrl.u32 s11, $0x2;
	s25 =	simm.s32 $0x2800  }
0xd: {  	s7 =	smul.u32 $0x13C00, s4;
	s4 =	simm.s32 $0x0;
	s9 =	sadd.s32 s5, s6  }
0xe: {  	s12 =	sadd.s32 s24, s6;
	s11 =	smax.u32 s14, $0x1;
	s14 =	simm.s32 $0x5  }
0xf: {  	s24 =	simm.s32 $0xA0;
	[smem:$0x7FF] =	sst s4;
	s7 =	sor.u32 s8, s7  }
0x10: {  	_ =	strace $0x8000004D;
	s8 =	sadd.s32 s23, s2;
	s2 =	sshrl.u32 s2, $0x3  }
0x11: {  	s23 =	simm.s32 $0x3;
	s7 =	sshrl.u32 s7, $0x3;
	s30 =	sshrl.u32 s8, $0x3  }
0x12: {  	s8 =	sadd.s32 $0x11E00, s12;
	s2 =	sadd.s32 s13, s2;
	s12 =	simm.s32 $0x80  }
0x13: {  	s7 =	sadd.s32 s7, s6;
	s6 =	sadd.s32 $0x1E00, s9;
	s9 =	sadd.s32 s13, s30  }
0x14: {  	s10 =	sadd.s32 $0x25080, s2;
	s5 =	sadd.s32 $0x87800, s7;
	s7 =	sadd.s32 s26, s3  }
0x15: {  	s13 =	simm.s32 $0x400;
	s26 =	simm.s32 $0x4;
	s17 =	sshrl.u32 s7, $0x3  }
.LBB2_1:
0x16: {  	[tilespmem:s4], [sflag:$0x5] =	stream.strided.gather [hbm4b:s5+s12], $0x2780, s13, s12, $0x38;
	[tilespmem:$0x1F380] =	vst v63  }
0x17: {  	_ =	swait.ge [sflag:s14], $0x2780  }
0x18: {  	[sflag:s14] =	ssyncset.done $0x0  }
0x19: {  	[sflag:s14] =	ssyncadd.s32 $0xFFFFD880  }
0x1a: {  	[tilespmem:s15], [sflag:$0x5] =	stream.linear.gather [hbm4b:s6+s4], $0x3E80, $0x38;
	[tilespmem:$0x1F380] =	vst v63  }
0x1b: {  	_ =	swait.ge [sflag:s14], $0x3E80  }
0x1c: {  	[sflag:s14] =	ssyncset.done $0x0  }
0x1d: {  	[sflag:s14] =	ssyncadd.s32 $0xFFFFC180  }
0x1e: {  	[spmem:s17], [sflag:s16] =	dma.local [hbm:s8], $0x2780  }
0x1f: {  	_ =	swait.ge [sflag:s14], $0x2780  }
0x20: {  	[sflag:s14] =	ssyncset.done $0x0  }
0x21: {  	[sflag:s14] =	ssyncadd.s32 $0xFFFFD880  }
0x22: {  	[bflag:$0x0] =	sbarrier.arrive $0xFFFF  }
0x23: {  	[tilespmem:s19], [sflag:$0x1] =	stream.indirect.gather [hbm4b:s1+s18], $0x80, s4, s18, $0xb8;
	[tilespmem:$0x1F380] =	vst v63  }
0x24: {  	_ =	swait.ge [sflag:s20], $0x2800  }
0x25: {  	[sflag:s20] =	ssyncset.done $0x0  }
0x26: {  	[sflag:s20] =	ssyncadd.s32 $0xFFFFD800  }
0x27: {  	[tilespmem:s21], [sflag:$0x2] =	stream.indirect.gather [hbm4b:s1+s18], $0x80, s18, s18, $0xb8;
	[tilespmem:$0x1F380] =	vst v63  }
0x28: {  	_ = 	snop  }
0x29: {  	[spmem:s3] =	stream.indirect.scatter.add.f32 [tilespmem:s19], [sflag:$0x3], $0x80, s15, s18, $0xb8;
	[tilespmem:$0x1F380] =	vst v63  }
0x2a: {  	_ =	swait.ge [sflag:s22], $0x2800  }
0x2b: {  	[sflag:s22] =	ssyncset.done $0x0  }
0x2c: {  	[sflag:s22] =	ssyncadd.s32 $0xFFFFD800  }
0x2d: {  	_ =	swait.ge [sflag:s23], $0x2800  }
0x2e: {  	[sflag:s23] =	ssyncset.done $0x0  }
0x2f: {  	[sflag:s23] =	ssyncadd.s32 $0xFFFFD800  }
0x30: {  	[tilespmem:s19], [sflag:$0x1] =	stream.indirect.gather [hbm4b:s1+s18], $0x80, s24, s18, $0xb8;
	[tilespmem:$0x1F380] =	vst v63  }
0x31: {  	_ = 	snop  }
0x32: {  	[spmem:s3] =	stream.indirect.scatter.add.f32 [tilespmem:s21], [sflag:$0x4], $0x80, s25, s18, $0xb8;
	[tilespmem:$0x1F380] =	vst v63  }
0x33: {  	_ =	swait.ge [sflag:s20], $0x2800  }
0x34: {  	[sflag:s20] =	ssyncset.done $0x0  }
0x35: {  	[sflag:s20] =	ssyncadd.s32 $0xFFFFD800  }
0x36: {  	_ =	swait.ge [sflag:s26], $0x2800  }
0x37: {  	[sflag:s26] =	ssyncset.done $0x0  }
0x38: {  	s2 =	simm.s32 $0xF0;
	[sflag:s26] =	ssyncadd.s32 $0xFFFFD800  }
0x39: {  	[tilespmem:s21], [sflag:$0x2] =	stream.indirect.gather [hbm4b:s1+s18], $0x80, s2, s18, $0xb8;
	[tilespmem:$0x1F380] =	vst v63  }
0x3a: {  	s0 =	simm.s32 $0x2880  }
0x3b: {  	[spmem:s3] =	stream.indirect.scatter.add.f32 [tilespmem:s19], [sflag:$0x3], $0x80, s0, s18, $0xb8;
	[tilespmem:$0x1F380] =	vst v63  }
0x3c: {  	_ =	swait.ge [sflag:s22], $0x2800  }
0x3d: {  	[sflag:s22] =	ssyncset.done $0x0  }
0x3e: {  	[sflag:s22] =	ssyncadd.s32 $0xFFFFD800  }
0x3f: {  	_ =	swait.ge [sflag:s23], $0x2800  }
0x40: {  	s30 =	simm.s32 $0xFFFF1000;
	s31 =	simm.s32 $0x190;
	[sflag:s23] =	ssyncset.done $0x0  }
0x41: {  	s2 =	simm.s32 $0x2900;
	s0 =	simm.s32 $0x140;
	[sflag:s23] =	ssyncadd.s32 $0xFFFFD800  }
0x42: {  	[tilespmem:s19], [sflag:$0x1] =	stream.indirect.gather [hbm4b:s1+s18], $0x80, s0, s18, $0xb8;
	[tilespmem:$0x1F380] =	vst v63  }
.LBB2_2:
0x43: {  	[spmem:s3] =	stream.indirect.scatter.add.f32 [tilespmem:s21], [sflag:$0x4], $0x80, s2, s18, $0xb8;
	[tilespmem:$0x1F380] =	vst v63  }
0x44: {  	s2 =	smov.u32 s30  }
0x45: {  	p1 =	sne.s32 s30, $0xFFFFFC00;
	s30 =	sadd.s32 $0x400, s30;
	_ =	swait.ge [sflag:s20], $0x2800  }
0x46: {  	[sflag:s20] =	ssyncset.done $0x0  }
0x47: {  	[sflag:s20] =	ssyncadd.s32 $0xFFFFD800  }
0x48: {  	_ =	swait.ge [sflag:s26], $0x2800  }
0x49: {  	[sflag:s26] =	ssyncset.done $0x0  }
0x4a: {  	s2 =	sshra.s32 s2, $0x2;
	[sflag:s26] =	ssyncadd.s32 $0xFFFFD800  }
0x4b: {  	[tilespmem:s21], [sflag:$0x2] =	stream.indirect.gather [hbm4b:s1+s18], $0x80, s31, s18, $0xb8;
	[tilespmem:$0x1F380] =	vst v63  }
0x4c: {  	s0 =	sadd.s32 $0x6580, s2  }
0x4d: {  	[spmem:s3] =	stream.indirect.scatter.add.f32 [tilespmem:s19], [sflag:$0x3], $0x80, s0, s18, $0xb8;
	[tilespmem:$0x1F380] =	vst v63  }
0x4e: {  	_ =	swait.ge [sflag:s22], $0x2800  }
0x4f: {  	[sflag:s22] =	ssyncset.done $0x0  }
0x50: {  	[sflag:s22] =	ssyncadd.s32 $0xFFFFD800  }
.Ltmp0:
0x51: {  	_ =	swait.ge [sflag:s23], $0x2800;
	(pc) =	sbr.rel @p1 .LBB2_2-.Ltmp0, $4  }
0x52: {  	[sflag:s23] =	ssyncset.done $0x0  }
0x53: {  	s0 =	sadd.s32 $0x50, s31;
	[sflag:s23] =	ssyncadd.s32 $0xFFFFD800  }
0x54: {  	[tilespmem:s19], [sflag:$0x1] =	stream.indirect.gather [hbm4b:s1+s18], $0x80, s0, s18, $0xb8;
	[tilespmem:$0x1F380] =	vst v63  }
0x55: {  	s2 =	sadd.s32 $0x6600, s2;
	s31 =	sadd.s32 $0xA0, s31  }
0x56: {  	[spmem:s3] =	stream.indirect.scatter.add.f32 [tilespmem:s21], [sflag:$0x4], $0x80, s2, s18, $0xb8;
	[tilespmem:$0x1F380] =	vst v63  }
0x57: {  	_ =	swait.ge [sflag:s20], $0x2800  }
0x58: {  	[sflag:s20] =	ssyncset.done $0x0  }
0x59: {  	[sflag:s20] =	ssyncadd.s32 $0xFFFFD800  }
0x5a: {  	_ =	swait.ge [sflag:s26], $0x2800  }
0x5b: {  	[sflag:s26] =	ssyncset.done $0x0  }
0x5c: {  	[sflag:s26] =	ssyncadd.s32 $0xFFFFD800  }
0x5d: {  	[spmem:s3] =	stream.indirect.scatter.add.f32 [tilespmem:s19], [sflag:$0x3], $0x80, s28, s18, $0xb8;
	[tilespmem:$0x1F380] =	vst v63  }
0x5e: {  	_ =	swait.ge [sflag:s23], $0x2800  }
0x5f: {  	[sflag:s23] =	ssyncset.done $0x0  }
0x60: {  	[sflag:s23] =	ssyncadd.s32 $0xFFFFD800  }
0x61: {  	s0 =	sshrl.u32 @p0 s7, $0x3;
	[bflag:$0x0] =	sbarrier.arrive $0xFFFF  }
0x62: {  	[hbm:s10], [sflag:s16] =	dma.local @p0 [spmem:s0], $0x2080  }
0x63: {  	s0 =	simm.s32 @p0 $0x5  }
0x64: {  	_ =	swait.ge @p0 [sflag:s0], $0x2080  }
0x65: {  	s29 =	sadd.s32 $0x1, s29;
	[sflag:s0] =	ssyncset.done @p0 $0x0  }
0x66: {  	p1 =	sne.s32 s29, s11;
	[sflag:s0] =	ssyncadd.s32 @p0 $0xFFFFDF80;
	s0 =	sshrl.u32 @!p0 s7, $0x3  }
0x67: {  	[hbm:s9], [sflag:s16] =	dma.local @!p0 [spmem:s0], $0x2780  }
.Ltmp1:
0x68: {  	_ = 	snop;
	(pc) =	sbr.rel @p1 .LBB2_1-.Ltmp1, $4  }
0x69: {  	s0 =	simm.s32 @!p0 $0x5  }
0x6a: {  	_ =	swait.ge @!p0 [sflag:s0], $0x2780  }
0x6b: {  	[sflag:s0] =	ssyncset.done @!p0 $0x0  }
0x6c: {  	[sflag:s0] =	ssyncadd.s32 @!p0 $0xFFFFD880  }
0x6d: {  	_ =	sfence.sel $0x180000  }
0x6e: {  	[bflag:$0x0] =	sbarrier.arrive $0xFFFF  }
0x6f: {  	_ =	strace $0x9000004D  }
0x70: {  	s0 =	stileid.u32;
	[bflag:$0x2] =	sbarrier.arrive $0xFFFF  }
0x71: {  	p0 =	sne.s32 s0, $0x0;
	s0 =	rddreg [dreg:$0x3]  }
0x72: {  	s0 =	sadd.s32 @!p0 $0x100000, s0  }
0x73: {  	[sflag:s0] =	ssyncadd.tile.s32 @!p0 $0x1;
	_ =	shalt  }
.Lfunc_end2:
_tile_overlayer_lowered:
.L_overlay_start_2:
0x74: {  	(tag) =	ssettag $0x2  }
0x75: {  	s0 =	rddreg [dreg:$0x0];
	s2 =	stileid.u32  }
0x76: {  	s1 =	rddreg [dreg:$0x1];
	p0 =	sne.s32 s2, $0x0  }
0x77: {  	s3 =	rddreg [dreg:$0x2];
	[bflag:$0x3] =	sbarrier.arrive $0xFFFF;
	s2 =	simm.s32 @!p0 $0x1C05  }
0x78: {  	[timem:s3], [sflag:s2] =	dma.local @!p0 [hbm:s0], s1  }
0x79: {  	s0 =	simm.s32 @!p0 $0x5  }
0x7a: {  	_ =	swait.ge @!p0 [sflag:s0], s1  }
0x7b: {  	s1 =	ssub.s32 @!p0 $0x0, s1;
	[sflag:s0] =	ssyncset.done @!p0 $0x0  }
0x7c: {  	[sflag:s0] =	ssyncadd.s32 @!p0 s1  }
0x7d: {  	[bflag:$0x3] =	sbarrier.arrive $0xFFFF  }
0x7e: {  	_ =	shalt  }

// kernel: kernel.8.cloned.1.call-start
scs
__scs_entry_jumppad:
0x0: {  	(pc) =	sbr.rel $0x88, $3  }
0x1: {  	(tag) =	ssettag $0x0;
	lr =	simm.s32 $0x1  }
0x2: {  	[smem:$0x3F9B] =	sst lr;
	_ =	strace $0xD0000000  }
0x3: {  	_ = 	snop  }
0x4: {  	_ = 	snop  }
0x5: {  	_ = 	snop  }
0x6: {  	_ = 	snop  }
0x7: {  	_ = 	snop  }
__scs_overlays_trampoline_lowered:
0x8: {  	[smem:$0x3FAA] =	sst s0  }
0x9: {  	[smem:$0x3FAB] =	sst s1  }
0xa: {  	[smem:$0x3FAC] =	sst s2  }
0xb: {  	[smem:$0x3FAD] =	sst s3  }
0xc: {  	[smem:$0x3FAE] =	sst s4  }
0xd: {  	[smem:$0x3FAF] =	sst s5  }
0xe: {  	[smem:$0x3FB0] =	sst s6  }
0xf: {  	[smem:$0x3FB1] =	sst s7  }
0x10: {  	[smem:$0x3FB2] =	sst s8  }
0x11: {  	[smem:$0x3FB3] =	sst s9;
	s0 =	simm.s32 @!p0 $0x0  }
0x12: {  	s1 =	sld [smem:$0x3F99];
	s0 =	simm.s32 @p0 $0x1  }
0x13: {  	[smem:$0x3FB4] =	sst s0;
	s0 =	simm.s32 @!p1 $0x0  }
0x14: {  	s2 =	sld [smem:$0x3F98];
	s0 =	simm.s32 @p1 $0x1  }
0x15: {  	[smem:$0x3FB5] =	sst s0;
	s0 =	simm.s32 @!p2 $0x0  }
0x16: {  	s3 =	sld [smem:$0x3FDB];
	s0 =	simm.s32 @p2 $0x1  }
0x17: {  	s4 =	simm.s32 $0x1BF5;
	[smem:$0x3FB7] =	sst s0  }
0x18: {  	s0 =	sld [smem:$0x3F9A];
	_ =	swait.ge [sflag:s4], $0x0  }
0x19: {  	s7 =	sld [smem:$0x3F9B]  }
0x1a: {  	s8 =	sadd.s32 $0xFFFFE003, lr  }
0x1b: {  	s9 =	sadd.s32 $0xFFFFFEF7, lr;
	s5 =	simm.s32 $0xFFFFFFFF;
	p2 =	slt.u32 s8, $0xFFFFF086  }
0x1c: {  	p1 =	slt.u32 s9, $0xF7A;
	s5 =	simm.s32 @!p2 $0x0  }
0x1d: {  	s5 =	simm.s32 @p1 $0x1;
	p0 =	seq.s32 s7, s2  }
0x1e: {  	s7 =	smul.u32 @!p0 $0xF7A, s2;
	p2 =	seq.s32 @!p0 s5, $0x0  }
0x1f: {  	s9 =	smul.u32 $0xF7A, s1;
	s8 =	simm.s32 @!p0 $0x1BF5;
	p2 =	por !p2, p0  }
0x20: {  	[sflag:s8] =	ssyncset.s32 @!p0 $0xFFFFF086;
	s6 =	sadd.s32 @!p0 s3, s7;
	s7 =	simm.s32 @!p0 $0x108  }
0x21: {  	s3 =	sadd.s32 s3, s9;
	s6 =	sadd.s32 @!p0 $0x88, s6;
	s7 =	simm.s32 @p2 $0x1082  }
0x22: {  	[simem:s7], [sflag:s8] =	dma.local @!p0 [hbm:s6], $0xF7A  }
0x23: {  	s9 =	sor.u32 $0xD0000000, s2;
	s6 =	simm.s32 $0x108;
	_ =	swait.ge @!p0 [sflag:s8], $0x0  }
0x24: {  	s3 =	sadd.s32 $0x88, s3;
	s6 =	simm.s32 @!p1 $0x1082;
	[sflag:s4] =	ssyncset.s32 $0xFFFFF086  }
0x25: {  	[simem:s6], [sflag:s4] =	dma.local [hbm:s3], $0xF7A  }
0x26: {  	[smem:$0x3F9B] =	sst s1;
	(tag) =	ssettag s2;
	_ =	strace s9  }
0x27: {  	s1 =	sld [smem:$0x3FAB]  }
0x28: {  	s2 =	sld [smem:$0x3FAC]  }
0x29: {  	s4 =	sld [smem:$0x3FAE]  }
0x2a: {  	p0 =	seq.s32 s5, $0x0;
	s5 =	sld [smem:$0x3FAF]  }
0x2b: {  	s6 =	sld [smem:$0x3FB0]  }
0x2c: {  	s7 =	sld [smem:$0x3FB1]  }
0x2d: {  	s3 =	simm.s32 $0x108;
	s8 =	sld [smem:$0x3FB2]  }
0x2e: {  	s3 =	simm.s32 @!p0 $0x1082;
	s9 =	sld [smem:$0x3FB3]  }
0x2f: {  	lr =	sadd.s32 s0, s3;
	s0 =	sld [smem:$0x3FAA]  }
0x30: {  	s3 =	sld [smem:$0x3FAD]  }
0x31: {  	[smem:$0x3FB6] =	sst s10  }
0x32: {  	s10 =	sld [smem:$0x3FB4];
	_ =	sdelay $0x3  }
0x33: {  	p0 =	seq.s32 s10, $0x1;
	s10 =	sld [smem:$0x3FB6];
	_ =	sdelay $0x3  }
0x34: {  	[smem:$0x3FB6] =	sst s10  }
0x35: {  	s10 =	sld [smem:$0x3FB5];
	_ =	sdelay $0x3  }
0x36: {  	p1 =	seq.s32 s10, $0x1;
	s10 =	sld [smem:$0x3FB6];
	_ =	sdelay $0x3  }
0x37: {  	[smem:$0x3FB6] =	sst s10  }
0x38: {  	s10 =	sld [smem:$0x3FB7]  }
0x39: {  	_ = 	snop;
	(pc) =	sbr.ind lr, $3  }
0x3a: {  	_ = 	snop  }
0x3b: {  	_ = 	snop  }
0x3c: {  	p2 =	seq.s32 s10, $0x1;
	s10 =	sld [smem:$0x3FB6]  }
0x3d: {  	_ =	shalt  }
0x3e: {  	_ =	shalt  }
0x3f: {  	_ =	shalt  }
0x40: {  	_ =	shalt  }
0x41: {  	_ =	shalt  }
0x42: {  	_ =	shalt  }
0x43: {  	_ =	shalt  }
0x44: {  	_ =	shalt  }
0x45: {  	_ =	shalt  }
0x46: {  	_ =	shalt  }
0x47: {  	_ =	shalt  }
0x48: {  	_ =	shalt  }
0x49: {  	_ =	shalt  }
0x4a: {  	_ =	shalt  }
0x4b: {  	_ =	shalt  }
0x4c: {  	_ =	shalt  }
0x4d: {  	_ =	shalt  }
0x4e: {  	_ =	shalt  }
0x4f: {  	_ =	shalt  }
0x50: {  	_ =	shalt  }
0x51: {  	_ =	shalt  }
0x52: {  	_ =	shalt  }
0x53: {  	_ =	shalt  }
0x54: {  	_ =	shalt  }
0x55: {  	_ =	shalt  }
0x56: {  	_ =	shalt  }
0x57: {  	_ =	shalt  }
0x58: {  	_ =	shalt  }
0x59: {  	_ =	shalt  }
0x5a: {  	_ =	shalt  }
0x5b: {  	_ =	shalt  }
0x5c: {  	_ =	shalt  }
0x5d: {  	_ =	shalt  }
0x5e: {  	_ =	shalt  }
0x5f: {  	_ =	shalt  }
0x60: {  	_ =	shalt  }
0x61: {  	_ =	shalt  }
0x62: {  	_ =	shalt  }
0x63: {  	_ =	shalt  }
0x64: {  	_ =	shalt  }
0x65: {  	_ =	shalt  }
0x66: {  	_ =	shalt  }
0x67: {  	_ =	shalt  }
0x68: {  	_ =	shalt  }
0x69: {  	_ =	shalt  }
0x6a: {  	_ =	shalt  }
0x6b: {  	_ =	shalt  }
0x6c: {  	_ =	shalt  }
0x6d: {  	_ =	shalt  }
0x6e: {  	_ =	shalt  }
0x6f: {  	_ =	shalt  }
0x70: {  	_ =	shalt  }
0x71: {  	_ =	shalt  }
0x72: {  	_ =	shalt  }
0x73: {  	_ =	shalt  }
0x74: {  	_ =	shalt  }
0x75: {  	_ =	shalt  }
0x76: {  	_ =	shalt  }
0x77: {  	_ =	shalt  }
0x78: {  	_ =	shalt  }
0x79: {  	_ =	shalt  }
0x7a: {  	_ =	shalt  }
0x7b: {  	_ =	shalt  }
0x7c: {  	_ =	shalt  }
0x7d: {  	_ =	shalt  }
0x7e: {  	_ =	shalt  }
0x7f: {  	_ =	shalt  }
0x80: {  	_ =	shalt  }
0x81: {  	_ =	shalt  }
0x82: {  	_ =	shalt  }
0x83: {  	_ =	shalt  }
0x84: {  	_ =	shalt  }
0x85: {  	_ =	shalt  }
0x86: {  	_ =	shalt  }
0x87: {  	_ =	shalt  }
.Lfunc_end0:
.L_simem_size_0:
called_computation_lowered:
.L_overlay_start_0:
0x88: {  	s2 =	sld [smem:$0x3FD9]  }
0x89: {  	s3 =	sld [smem:$0x3FFE];
	_ =	sdelay $0x1  }
0x8a: {  	s1 =	srdreg.scid  }
0x8b: {  	s0 =	sand.u32 $0x1, s1  }
0x8c: {  	s17 =	sshll.u32 s0, $0xA;
	s2 =	sadd.s32 s3, s2  }
0x8d: {  	s2 =	sadd.s32 s2, s17  }
0x8e: {  	[smem:$0x3FC2] =	sst s2  }
0x8f: {  	_ = 	snop  }
0x90: {  	s2 =	sld [smem:$0x3FD0];
	(tm) =	ssettm $0x1  }
0x91: {  	s18 =	sld [smem:$0x3FFB];
	_ =	sdelay $0x3  }
0x92: {  	_ =	strace s18  }
0x93: {  	s3 =	sld [smem:$0x3FFC];
	_ =	sdelay $0x3  }
0x94: {  	_ =	strace s3  }
0x95: {  	s3 =	sld [smem:$0x3FFD];
	_ =	sdelay $0x3  }
0x96: {  	_ =	strace s3  }
0x97: {  	_ =	strace $0x8FFFFFFF  }
0x98: {  	s19 =	sld [smem:$0x3FDB];
	_ =	sdelay $0x1  }
0x99: {  	s4 =	simm.s32 $_scs_section_size  }
0x9a: {  	s5 =	simm.s32 $_size__tile_overlayer_lowered;
	s6 =	simm.s32 $_tile_overlayer_lowered  }
0x9b: {  	s22 =	simm.s32 $0x1BFF;
	s21 =	sshll.u32 s6, $0x1;
	s3 =	sadd.s32 s4, s19  }
0x9c: {  	s7 =	simm.s32 $0x0;
	s20 =	sshll.u32 s5, $0x1;
	s5 =	sadd.s32 s21, s3  }
0x9d: {  	[timem:s7], [sflag:s22] =	dma.local [hbm:s5], s20  }
0x9e: {  	_ =	swait.ge [sflag:s22], s20  }
0x9f: {  	s4 =	ssub.s32 $0x0, s20;
	[sflag:s22] =	ssyncset.done $0x0  }
0xa0: {  	[sflag:s22] =	ssyncadd.s32 s4;
	_ =	sdelay $0x1  }
0xa1: {  	s23 =	simm.s32 $0x1B8B  }
0xa2: {  	_ =	swait.ge [sflag:s23], $0x1  }
0xa3: {  	[sflag:s23] =	ssyncset.done $0x0  }
0xa4: {  	s25 =	simm.s32 $0x1B8E;
	s24 =	sld [smem:$0x3FFE];
	[sflag:s23] =	ssyncadd.s32 $0xFFFFFFFF  }
0xa5: {  	s26 =	simm.s32 $execute0_lowered;
	[smem:$0x3FD2] =	sst s25  }
0xa6: {  	s5 =	sshll.u32 s26, $0x1;
	_ =	strace $0x80000046;
	[dreg:$0x1] =	wrdreg $0xFFFFFFFF  }
0xa7: {  	s28 =	simm.s32 $_size_execute0_lowered;
	s3 =	sadd.s32 s3, s5;
	[dreg:$0x0] =	wrdreg $0x0  }
0xa8: {  	s5 =	sshll.u32 s28, $0x1;
	[dreg:$0x2] =	wrdreg s3  }
0xa9: {  	[dreg:$0x3] =	wrdreg s5  }
0xaa: {  	[dreg:$0x4] =	wrdreg $0xC0  }
0xab: {  	_ =	task [dreg:s7], $0x5FFFF  }
0xac: {  	[dreg:$0x1] =	wrdreg $0xFFFFFFFF  }
0xad: {  	[dreg:$0x0] =	wrdreg $0x60  }
0xae: {  	[dreg:$0x2] =	wrdreg s24  }
0xaf: {  	[dreg:$0x3] =	wrdreg s2  }
0xb0: {  	[dreg:$0x4] =	wrdreg $0x68000  }
0xb1: {  	[dreg:$0x5] =	wrdreg $0x9  }
0xb2: {  	_ =	task.clear_ibuf [dreg:s7], $0x6FFFF;
	_ =	strace $0x90000046  }
0xb3: {  	s29 =	simm.s32 $0x9;
	_ =	strace $0x80000048  }
0xb4: {  	_ =	swait.ge [sflag:s29], $0x1  }
0xb5: {  	[sflag:s29] =	ssyncadd.s32 $0xFFFFFFFF  }
0xb6: {  	_ =	strace $0x90000048  }
0xb7: {  	_ =	sfence  }
0xb8: {  	s30 =	sld [smem:$0x0];
	_ =	sdelay $0x2  }
0xb9: {  	s31 =	sshll.u32 s1, $0xD;
	s1 =	sshrl.u32 s1, $0x2  }
0xba: {  	s3 =	sand.u32 $0x4000, s31;
	s1 =	sadd.s32 s1, s30  }
0xbb: {  	s0 =	sor.u32 s3, s0;
	s1 =	sshll.u32 s1, $0x11  }
0xbc: {  	s0 =	sor.u32 s1, s0  }
0xbd: {  	s0 =	sadd.s32 $0x8F2B, s0  }
0xbe: {  	[sflag:s0] =	ssyncadd.remote.s32 $0x1  }
0xbf: {  	_ =	sfence.sel $0xFFFF  }
0xc0: {  	[dreg:$0x0] =	wrdreg $0xFFFFFFFF;
	(pc) =	sbr.abs _section_cstart, $3  }
0xc1: {  	[dreg:$0x1] =	wrdreg $0xFFFFFFFF  }
0xc2: {  	_ =	task.clear_ibuf [dreg:s7], $0x2FFFF;
	_ =	strace $0x9FFFFFFF  }
0xc3: {  	(tm) =	ssettm $0x7FFFFFFF  }
tec
execute0_lowered:
.L_overlay_start_1:
0x0: {  	(tag) =	ssettag $0x1  }
0x1: {  	s5 =	rddreg [dreg:$0x0]  }
0x2: {  	s2 =	rddreg [dreg:$0x1]  }
0x3: {  	s3 =	rddreg [dreg:$0x2]  }
0x4: {  	s0 =	rddreg [dreg:$0x3];
	s4 =	simm.s32 $0x0;
	s1 =	stileid.u32  }
0x5: {  	s9 =	srdreg.scid;
	s14 =	simm.s32 $0x50;
	s15 =	simm.s32 $0x80  }
0x6: {  	s16 =	simm.s32 $0x1;
	s17 =	simm.s32 $0x2;
	s18 =	simm.s32 $0x3E00  }
0x7: {  	s21 =	simm.s32 $0x0;
	[smem:$0x7FF] =	sst s4;
	s6 =	smul.u32 $0x13C00, s1  }
0x8: {  	s7 =	sshll.u32 s1, $0xB;
	s9 =	sand.u32 $0x1, s9;
	s12 =	smul.u32 $0x4F000, s1  }
0x9: {  	s28 =	sadd.s32 $0x39600, s5;
	s31 =	sshll.u32 s1, $0x6;
	p0 =	seq.s32 s1, $0xF  }
0xa: {  	_ =	strace $0x80000047;
	s7 =	sadd.s32 s7, s5;
	s10 =	ssub.s32 $0x2, s9  }
0xb: {  	s11 =	sshll.u32 s9, $0xF;
	s9 =	smul.u32 $0x138800, s9;
	s8 =	sshrl.u32 s6, $0x3  }
0xc: {  	s13 =	sshrl.u32 s10, $0x1;
	s7 =	sadd.s32 s11, s7;
	s29 =	sshrl.u32 s12, $0x2  }
0xd: {  	s11 =	simm.s32 $0x4000;
	s12 =	sor.u32 $0x1C03, s31;
	s8 =	sadd.s32 s8, s5  }
0xe: {  	s10 =	ssub.s32 s10, s13;
	s5 =	sadd.s32 $0x1E00, s7;
	s6 =	sadd.s32 s6, s9  }
0xf: {  	s9 =	sshrl.u32 s9, $0x3;
	s20 =	sadd.s32 s29, s3;
	s30 =	sshrl.u32 s6, $0x3  }
0x10: {  	s9 =	sadd.s32 s28, s9;
	s6 =	sadd.s32 $0x11E00, s8;
	s13 =	sshrl.u32 s20, $0x3  }
0x11: {  	s19 =	sshrl.u32 @p0 s20, $0x3;
	s20 =	sshrl.u32 @!p0 s20, $0x3;
	s7 =	sadd.s32 s28, s30  }
0x12: {  	s8 =	sadd.s32 $0x25080, s9;
	s9 =	smax.u32 s10, $0x1;
	s10 =	simm.s32 $0x3  }
.LBB2_1:
0x13: {  	[tilespmem:s4], [sflag:$0x3] =	stream.linear.gather [hbm4b:s5+s4], $0x3E80, $0x38;
	[tilespmem:$0x8F80] =	vst v63  }
0x14: {  	_ =	swait.ge [sflag:s10], $0x3E80  }
0x15: {  	[sflag:s10] =	ssyncset.done $0x0  }
0x16: {  	[sflag:s10] =	ssyncadd.s32 $0xFFFFC180  }
0x17: {  	[tilespmem:s11], [sflag:$0x3] =	stream.linear.gather [hbm4b:s2+s4], $0x2800, $0x38;
	[tilespmem:$0x8F80] =	vst v63  }
0x18: {  	_ =	swait.ge [sflag:s10], $0x2800  }
0x19: {  	[sflag:s10] =	ssyncset.done $0x0  }
0x1a: {  	[sflag:s10] =	ssyncadd.s32 $0xFFFFD800  }
0x1b: {  	[spmem:s13], [sflag:s12] =	dma.local [hbm:s6], $0x2780  }
0x1c: {  	_ =	swait.ge [sflag:s10], $0x2780  }
0x1d: {  	[sflag:s10] =	ssyncset.done $0x0  }
0x1e: {  	[sflag:s10] =	ssyncadd.s32 $0xFFFFD880  }
0x1f: {  	[bflag:$0x0] =	sbarrier.arrive $0xFFFF  }
0x20: {  	[spmem:s3] =	stream.indirect.scatter.add.f32 [tilespmem:s11], [sflag:$0x1], $0x10, s4, s14, $0xb8;
	[tilespmem:$0x8F80] =	vst v63  }
0x21: {  	_ = 	snop  }
0x22: {  	[spmem:s3] =	stream.indirect.scatter.add.f32 [tilespmem:s11], [sflag:$0x2], $0x10, s15, s14, $0xb8;
	[tilespmem:$0x8F80] =	vst v63  }
0x23: {  	_ =	swait.ge [sflag:s16], $0x500  }
0x24: {  	[sflag:s16] =	ssyncset.done $0x0  }
0x25: {  	s22 =	simm.s32 $0x100;
	[sflag:s16] =	ssyncadd.s32 $0xFFFFFB00  }
0x26: {  	[spmem:s3] =	stream.indirect.scatter.add.f32 [tilespmem:s11], [sflag:$0x1], $0x10, s22, s14, $0xb8;
	[tilespmem:$0x8F80] =	vst v63  }
0x27: {  	_ =	swait.ge [sflag:s17], $0x500  }
0x28: {  	[sflag:s17] =	ssyncset.done $0x0  }
0x29: {  	s23 =	simm.s32 $0x180;
	s22 =	simm.s32 $0xFFFF1000;
	[sflag:s17] =	ssyncadd.s32 $0xFFFFFB00  }
.LBB2_2:
0x2a: {  	[spmem:s3] =	stream.indirect.scatter.add.f32 [tilespmem:s11], [sflag:$0x2], $0x10, s23, s14, $0xb8;
	[tilespmem:$0x8F80] =	vst v63  }
0x2b: {  	s23 =	smov.u32 s22  }
0x2c: {  	p1 =	sne.s32 s22, $0xFFFFFC00;
	s22 =	sadd.s32 $0x400, s22;
	_ =	swait.ge [sflag:s16], $0x500  }
0x2d: {  	s23 =	sshra.s32 s23, $0x2;
	[sflag:s16] =	ssyncset.done $0x0  }
.Ltmp0:
0x2e: {  	s24 =	sadd.s32 $0x3E00, s23;
	[sflag:s16] =	ssyncadd.s32 $0xFFFFFB00;
	(pc) =	sbr.rel @p1 .LBB2_2-.Ltmp0, $4  }
0x2f: {  	[spmem:s3] =	stream.indirect.scatter.add.f32 [tilespmem:s11], [sflag:$0x1], $0x10, s24, s14, $0xb8;
	[tilespmem:$0x8F80] =	vst v63  }
0x30: {  	_ =	swait.ge [sflag:s17], $0x500  }
0x31: {  	[sflag:s17] =	ssyncset.done $0x0  }
0x32: {  	s23 =	sadd.s32 $0x3E80, s23;
	[sflag:s17] =	ssyncadd.s32 $0xFFFFFB00  }
0x33: {  	[spmem:s3] =	stream.indirect.scatter.add.f32 [tilespmem:s11], [sflag:$0x2], $0x10, s23, s14, $0xb8;
	[tilespmem:$0x8F80] =	vst v63  }
0x34: {  	_ =	swait.ge [sflag:s16], $0x500  }
0x35: {  	[sflag:s16] =	ssyncset.done $0x0  }
0x36: {  	[sflag:s16] =	ssyncadd.s32 $0xFFFFFB00  }
0x37: {  	[spmem:s3] =	stream.indirect.scatter.add.f32 [tilespmem:s11], [sflag:$0x1], $0x10, s18, s14, $0xb8;
	[tilespmem:$0x8F80] =	vst v63  }
0x38: {  	_ =	swait.ge [sflag:s17], $0x500  }
0x39: {  	[sflag:s17] =	ssyncset.done $0x0  }
0x3a: {  	[sflag:s17] =	ssyncadd.s32 $0xFFFFFB00  }
0x3b: {  	_ =	swait.ge [sflag:s16], $0x500  }
0x3c: {  	[sflag:s16] =	ssyncset.done $0x0  }
0x3d: {  	[sflag:s16] =	ssyncadd.s32 $0xFFFFFB00  }
0x3e: {  	s22 =	simm.s32 @p0 $0x3;
	[bflag:$0x0] =	sbarrier.arrive $0xFFFF  }
0x3f: {  	[hbm:s8], [sflag:s12] =	dma.local @p0 [spmem:s19], $0x2080  }
0x40: {  	s21 =	sadd.s32 $0x1, s21;
	_ =	swait.ge @p0 [sflag:s22], $0x2080  }
0x41: {  	p1 =	sne.s32 s21, s9;
	[sflag:s22] =	ssyncset.done @p0 $0x0  }
.Ltmp1:
0x42: {  	[sflag:s22] =	ssyncadd.s32 @p0 $0xFFFFDF80;
	s22 =	simm.s32 @!p0 $0x3;
	(pc) =	sbr.rel @p1 .LBB2_1-.Ltmp1, $4  }
0x43: {  	[hbm:s7], [sflag:s12] =	dma.local @!p0 [spmem:s20], $0x2780  }
0x44: {  	_ =	swait.ge @!p0 [sflag:s22], $0x2780  }
0x45: {  	[sflag:s22] =	ssyncset.done @!p0 $0x0  }
0x46: {  	[sflag:s22] =	ssyncadd.s32 @!p0 $0xFFFFD880  }
0x47: {  	_ =	sfence.sel $0x180000  }
0x48: {  	[bflag:$0x0] =	sbarrier.arrive $0xFFFF  }
0x49: {  	p0 =	sne.s32 s1, $0x0;
	_ =	strace $0x90000047  }
0x4a: {  	s0 =	sadd.s32 @!p0 $0x100000, s0;
	[bflag:$0x2] =	sbarrier.arrive $0xFFFF  }
0x4b: {  	[sflag:s0] =	ssyncadd.tile.s32 @!p0 $0x1;
	_ =	shalt  }
.Lfunc_end2:
_tile_overlayer_lowered:
.L_overlay_start_2:
0x4c: {  	(tag) =	ssettag $0x2  }
0x4d: {  	s0 =	rddreg [dreg:$0x0];
	s2 =	stileid.u32  }
0x4e: {  	s1 =	rddreg [dreg:$0x1];
	p0 =	sne.s32 s2, $0x0  }
0x4f: {  	s3 =	rddreg [dreg:$0x2];
	[bflag:$0x3] =	sbarrier.arrive $0xFFFF;
	s2 =	simm.s32 @!p0 $0x1C03  }
0x50: {  	[timem:s3], [sflag:s2] =	dma.local @!p0 [hbm:s0], s1  }
0x51: {  	s0 =	simm.s32 @!p0 $0x3  }
0x52: {  	_ =	swait.ge @!p0 [sflag:s0], s1  }
0x53: {  	s1 =	ssub.s32 @!p0 $0x0, s1;
	[sflag:s0] =	ssyncset.done @!p0 $0x0  }
0x54: {  	[sflag:s0] =	ssyncadd.s32 @!p0 s1  }
0x55: {  	[bflag:$0x3] =	sbarrier.arrive $0xFFFF  }
0x56: {  	_ =	shalt  }

</sc_bundles>
